<compile_context>
chip_gen: v7x
topology: tpu7x:2x2x1
jax: 0.10.2.dev20260603
libtpu: 0.0.44.dev20260713+nightly
codegen_flags: <defaults>
</compile_context>

<pallas_src>
import functools

import jax
import jax.numpy as jnp
from jax import lax
from jax.experimental import pallas as pl
from jax.experimental.pallas import tpu as pltpu
from jax.experimental.pallas import tpu_sc as plsc

NC = 2
NS = 16
NW = NC * NS

L = 16


def _sc_body(num_images, C, H, W, B, P,
             ii_hbm, grid_hbm, feat_hbm, out_hbm,
             ii_v, grid_v, feat_v, idx_v, w_v, out_v, sem):
    HW = H * W
    CHW = C * HW
    n_b = B // NW
    n_pc = P // L

    wid = lax.axis_index("s") * NC + lax.axis_index("c")
    base = wid * n_b

    pltpu.sync_copy(ii_hbm.at[pl.ds(base, n_b)], ii_v)

    def per_query(i, _):
        b = base + i
        img = plsc.load_gather(ii_v, [jnp.full((L,), i, jnp.int32)])[0]
        pltpu.async_copy(feat_hbm.at[pl.ds(img * CHW, CHW)], feat_v, sem).wait()
        pltpu.sync_copy(grid_hbm.at[pl.ds(b, 1)], grid_v)

        def weights(pc, _):
            off = pc * L
            x = grid_v[0, 0, pl.ds(off, L)]
            y = grid_v[0, 1, pl.ds(off, L)]
            ix = jnp.clip(x * float(W) - 0.5, -1.0, float(W))
            iy = jnp.clip(y * float(H) - 0.5, -1.0, float(H))
            ix0 = (ix + float(W)).astype(jnp.int32) - W
            iy0 = (iy + float(H)).astype(jnp.int32) - H
            wx1 = ix - ix0.astype(jnp.float32)
            wy1 = iy - iy0.astype(jnp.float32)
            wx0 = 1.0 - wx1
            wy0 = 1.0 - wy1
            ix0c = jnp.clip(ix0, 0, W - 1)
            ix1c = jnp.clip(ix0 + 1, 0, W - 1)
            iy0c = jnp.clip(iy0, 0, H - 1) * W
            iy1c = jnp.clip(iy0 + 1, 0, H - 1) * W
            idx_v[0, pl.ds(off, L)] = iy0c + ix0c
            idx_v[1, pl.ds(off, L)] = iy0c + ix1c
            idx_v[2, pl.ds(off, L)] = iy1c + ix0c
            idx_v[3, pl.ds(off, L)] = iy1c + ix1c
            w_v[0, pl.ds(off, L)] = wy0 * wx0
            w_v[1, pl.ds(off, L)] = wy0 * wx1
            w_v[2, pl.ds(off, L)] = wy1 * wx0
            w_v[3, pl.ds(off, L)] = wy1 * wx1
            return 0

        lax.fori_loop(0, n_pc, weights, 0)

        def per_chunk(pc, _):
            off = pc * L
            i00 = idx_v[0, pl.ds(off, L)]
            i01 = idx_v[1, pl.ds(off, L)]
            i10 = idx_v[2, pl.ds(off, L)]
            i11 = idx_v[3, pl.ds(off, L)]
            w00 = w_v[0, pl.ds(off, L)]
            w01 = w_v[1, pl.ds(off, L)]
            w10 = w_v[2, pl.ds(off, L)]
            w11 = w_v[3, pl.ds(off, L)]

            def per_chan(c, carry):
                j00, j01, j10, j11, oidx = carry
                v00 = plsc.load_gather(feat_v, [j00])
                v01 = plsc.load_gather(feat_v, [j01])
                v10 = plsc.load_gather(feat_v, [j10])
                v11 = plsc.load_gather(feat_v, [j11])
                acc = v00 * w00 + v01 * w01 + v10 * w10 + v11 * w11
                out_v[0, pl.ds(oidx, L)] = acc
                return (j00 + HW, j01 + HW, j10 + HW, j11 + HW, oidx + P)

            lax.fori_loop(0, C, per_chan, (i00, i01, i10, i11, off),
                          unroll=2)
            return 0

        lax.fori_loop(0, n_pc, per_chunk, 0)

        pltpu.sync_copy(out_v, out_hbm.at[pl.ds(b, 1)])
        return 0

    lax.fori_loop(0, n_b, per_query, 0)


def kernel(image_index, grid, features):
    num_images, C, H, W = features.shape
    B, _, P = grid.shape
    CHW = C * H * W

    feat_flat = features.reshape(num_images * CHW)
    ii = image_index.astype(jnp.int32)

    body = functools.partial(_sc_body, num_images, C, H, W, B, P)
    f = pl.kernel(
        body,
        out_type=jax.ShapeDtypeStruct((B, C * P), jnp.float32),
        mesh=plsc.VectorSubcoreMesh(core_axis_name="c", subcore_axis_name="s",
                                    num_cores=NC, num_subcores=NS),
        compiler_params=pltpu.CompilerParams(needs_layout_passes=False),
        scratch_types=[
            pltpu.VMEM((B // NW,), jnp.int32),
            pltpu.VMEM((1, 2, P), jnp.float32),
            pltpu.VMEM((CHW,), jnp.float32),
            pltpu.VMEM((4, P), jnp.int32),
            pltpu.VMEM((4, P), jnp.float32),
            pltpu.VMEM((1, C * P), jnp.float32),
            pltpu.SemaphoreType.DMA,
        ],
    )
    out = f(ii, grid, feat_flat)
    return out.reshape(B, C, P)

# --- scband reference (transcript-rebuilt; emitter-appended) ---
"""Pipeline reference for scband-feature-grids-59966333387111 (READ-ONLY COPY).

The authoritative reference and input builder live on the scoring server;
editing this copy changes nothing except your own understanding.
"""

import jax, jax.numpy as jnp
import numpy as np

NUM_IMAGES = 1024
NUM_FEATURES = 128
GH, GW = 16, 16
B = 1024
P = 512


def setup_inputs(seed: int = 0) -> dict:
    key = jax.random.key(seed)
    k1, k2, k3 = jax.random.split(key, 3)
    features = jax.random.normal(k1, (NUM_IMAGES, NUM_FEATURES, GH, GW), dtype=jnp.float32)
    image_index = jax.random.randint(k2, (B,), 0, NUM_IMAGES)
    grid = jax.random.uniform(k3, (B, 2, P), dtype=jnp.float32)
    return {"image_index": image_index, "grid": grid, "features": features}


def _grid_sample_bilinear_border(feat, g):
    # feat: [B, C, H, W]; g: [B, P, 1, 2] in [-1, 1], last dim is (x, y)
    Bb, C, H, W = feat.shape
    x = g[..., 0]
    y = g[..., 1]
    # align_corners=False unnormalization
    ix = ((x + 1.0) * W - 1.0) / 2.0
    iy = ((y + 1.0) * H - 1.0) / 2.0
    ix0 = jnp.floor(ix)
    iy0 = jnp.floor(iy)
    wx1 = ix - ix0
    wy1 = iy - iy0
    wx0 = 1.0 - wx1
    wy0 = 1.0 - wy1
    ix0c = jnp.clip(ix0, 0, W - 1).astype(jnp.int32)
    ix1c = jnp.clip(ix0 + 1.0, 0, W - 1).astype(jnp.int32)
    iy0c = jnp.clip(iy0, 0, H - 1).astype(jnp.int32)
    iy1c = jnp.clip(iy0 + 1.0, 0, H - 1).astype(jnp.int32)
    featl = jnp.transpose(feat, (0, 2, 3, 1))  # [B, H, W, C]
    b_idx = jnp.arange(Bb)[:, None, None]
    v00 = featl[b_idx, iy0c, ix0c]  # [B, P, 1, C]
    v01 = featl[b_idx, iy0c, ix1c]
    v10 = featl[b_idx, iy1c, ix0c]
    v11 = featl[b_idx, iy1c, ix1c]
    w00 = (wy0 * wx0)[..., None]
    w01 = (wy0 * wx1)[..., None]
    w10 = (wy1 * wx0)[..., None]
    w11 = (wy1 * wx1)[..., None]
    return v00 * w00 + v01 * w01 + v10 * w10 + v11 * w11  # [B, P, 1, C]


def reference(image_index, grid, features):
    # features[image_index] -> [B, C, H, W]
    feat = jnp.take(features, image_index, axis=0)
    # grid: [B, 2, P] -> permute(0, 2, 1).unsqueeze(2) -> [B, P, 1, 2]
    g = jnp.transpose(grid, (0, 2, 1))[:, :, None, :]
    g = g * 2.0 - 1.0
    samples = _grid_sample_bilinear_border(feat, g)  # [B, P, 1, C]
    samples = samples[:, :, 0, :]  # squeeze(3) in NCHW == drop the singleton spatial dim
    return jnp.transpose(samples, (0, 2, 1))  # [B, C, P]

if __name__ == "__main__":
    import jax
    _d = setup_inputs()
    print(jax.jit(kernel)(*tuple(_d.values())))

</pallas_src>

<mosaic_0001>
#map = affine_map<(d0, d1) -> (0)>
#map1 = affine_map<(d0, d1) -> (0, 0, 0)>
#map2 = affine_map<(d0, d1) -> (0, 0)>
module attributes {stable_mosaic.version = 14 : i64} {
  func.func @_sc_body(%arg0: i32, %arg1: i32, %arg2: memref<1024xi32, #tpu.memory_space<hbm>>, %arg3: memref<1024x2x512xf32, #tpu.memory_space<hbm>>, %arg4: memref<33554432xf32, #tpu.memory_space<hbm>>, %arg5: memref<1024x65536xf32, #tpu.memory_space<hbm>>, %arg6: memref<32xi32, #tpu.memory_space<vmem>>, %arg7: memref<1x2x512xf32, #tpu.memory_space<vmem>>, %arg8: memref<32768xf32, #tpu.memory_space<vmem>>, %arg9: memref<4x512xi32, #tpu.memory_space<vmem>>, %arg10: memref<4x512xf32, #tpu.memory_space<vmem>>, %arg11: memref<1x65536xf32, #tpu.memory_space<vmem>>, %arg12: memref<!tpu.dma_semaphore, #tpu.memory_space<semaphore_mem>>) attributes {dimension_semantics = [#tpu.dimension_semantics<core_parallel>, #tpu.dimension_semantics<subcore_parallel>], iteration_bounds = array<i64: 2, 16>, scalar_prefetch = 0 : i64, scratch_operands = 7 : i64, tpu.core_type = #tpu.core_type<sc_vector_subcore>, window_params = [{transform_indices = #map}, {transform_indices = #map1}, {transform_indices = #map}, {transform_indices = #map2}]} {
    %mul3A = arith.constant 2 : i32
    %mul3A_0 = arith.muli %arg1, %mul3A : i32
    %add3A = arith.addi %mul3A_0, %arg0 : i32
    %mul3A_1 = arith.constant 32 : i32
    %mul3A_2 = arith.muli %add3A, %mul3A_1 : i32
    "tpu.region"() ({
      %run_scoped3A = tpu.sem_alloc : memref<!tpu.dma_semaphore, #tpu.memory_space<semaphore_mem>>
      %dma_start3A = tpu.memref_slice %arg2[%mul3A_2] : memref<1024xi32, #tpu.memory_space<hbm>> -> memref<32xi32, #tpu.memory_space<hbm>>
      %dma_start3A_9 = tpu.memref_slice %arg2[%mul3A_2] : memref<1024xi32, #tpu.memory_space<hbm>> -> memref<32xi32, #tpu.memory_space<hbm>>
      tpu.enqueue_dma source(%dma_start3A_9 : memref<32xi32, #tpu.memory_space<hbm>>) target(%arg6 : memref<32xi32, #tpu.memory_space<vmem>>) target_semaphore(%run_scoped3A : memref<!tpu.dma_semaphore, #tpu.memory_space<semaphore_mem>>)
      %dma_wait3A = tpu.memref_slice %arg2[%mul3A_2] : memref<1024xi32, #tpu.memory_space<hbm>> -> memref<32xi32, #tpu.memory_space<hbm>>
      %dma_wait3A_10 = tpu.memref_slice %arg2[%mul3A_2] : memref<1024xi32, #tpu.memory_space<hbm>> -> memref<32xi32, #tpu.memory_space<hbm>>
      tpu.wait_dma2 semaphore(%run_scoped3A : memref<!tpu.dma_semaphore, #tpu.memory_space<semaphore_mem>>) src(%dma_wait3A_10 : memref<32xi32, #tpu.memory_space<hbm>>) dst(%arg6 : memref<32xi32, #tpu.memory_space<vmem>>)
      tpu.yield
    }) : () -> ()
    %scan3A = arith.constant 0 : i32
    %scan3A_3 = arith.constant 0 : i32
    %scan3A_4 = arith.constant 32 : i32
    %scan3A_5 = arith.addi %scan3A_3, %scan3A_4 : i32
    %scan3A_6 = arith.constant 1 : i32
    %scan3A_7 = scf.for %scan3A_9 = %scan3A_3 to %scan3A_5 step %scan3A_6 iter_args(%scan3A_10 = %scan3A) -> (i32)  : i32 {
      %add3A_11 = arith.addi %mul3A_2, %scan3A_9 : i32
      %broadcast_in_dim3A = vector.broadcast %scan3A_9 : i32 to vector<16xi32>
      %gather3A = tpu.vector_load_idx %arg6[%broadcast_in_dim3A] : memref<32xi32, #tpu.memory_space<vmem>>[vector<16xi32>], vector<16xi32>,
      %slice3A = vector.extract_strided_slice %gather3A {offsets = [0], sizes = [1], strides = [1]} : vector<16xi32> to vector<1xi32>
      %squeeze3A = vector.extract %slice3A[0] : i32 from vector<1xi32>
      %mul3A_12 = arith.constant 32768 : i32
      %mul3A_13 = arith.muli %squeeze3A, %mul3A_12 : i32
      %dma_start3A = tpu.memref_slice %arg4[%mul3A_13] : memref<33554432xf32, #tpu.memory_space<hbm>> -> memref<32768xf32, #tpu.memory_space<hbm>>
      %dma_start3A_14 = tpu.memref_slice %arg4[%mul3A_13] : memref<33554432xf32, #tpu.memory_space<hbm>> -> memref<32768xf32, #tpu.memory_space<hbm>>
      tpu.enqueue_dma source(%dma_start3A_14 : memref<32768xf32, #tpu.memory_space<hbm>>) target(%arg8 : memref<32768xf32, #tpu.memory_space<vmem>>) target_semaphore(%arg12 : memref<!tpu.dma_semaphore, #tpu.memory_space<semaphore_mem>>)
      %dma_wait3A = tpu.memref_slice %arg4[%mul3A_13] : memref<33554432xf32, #tpu.memory_space<hbm>> -> memref<32768xf32, #tpu.memory_space<hbm>>
      %dma_wait3A_15 = tpu.memref_slice %arg4[%mul3A_13] : memref<33554432xf32, #tpu.memory_space<hbm>> -> memref<32768xf32, #tpu.memory_space<hbm>>
      tpu.wait_dma2 semaphore(%arg12 : memref<!tpu.dma_semaphore, #tpu.memory_space<semaphore_mem>>) src(%dma_wait3A_15 : memref<32768xf32, #tpu.memory_space<hbm>>) dst(%arg8 : memref<32768xf32, #tpu.memory_space<vmem>>)
      "tpu.region"() ({
        %run_scoped3A = tpu.sem_alloc : memref<!tpu.dma_semaphore, #tpu.memory_space<semaphore_mem>>
        %dma_start3A_31 = arith.constant 0 : i32
        %dma_start3A_32 = arith.constant 0 : i32
        %dma_start3A_33 = tpu.memref_slice %arg3[%add3A_11, %dma_start3A_31, %dma_start3A_32] : memref<1024x2x512xf32, #tpu.memory_space<hbm>> -> memref<1x2x512xf32, #tpu.memory_space<hbm>>
        %dma_start3A_34 = arith.constant 0 : i32
        %dma_start3A_35 = arith.constant 0 : i32
        %dma_start3A_36 = tpu.memref_slice %arg3[%add3A_11, %dma_start3A_34, %dma_start3A_35] : memref<1024x2x512xf32, #tpu.memory_space<hbm>> -> memref<1x2x512xf32, #tpu.memory_space<hbm>>
        tpu.enqueue_dma source(%dma_start3A_36 : memref<1x2x512xf32, #tpu.memory_space<hbm>>) target(%arg7 : memref<1x2x512xf32, #tpu.memory_space<vmem>>) target_semaphore(%run_scoped3A : memref<!tpu.dma_semaphore, #tpu.memory_space<semaphore_mem>>)
        %dma_wait3A_37 = arith.constant 0 : i32
        %dma_wait3A_38 = arith.constant 0 : i32
        %dma_wait3A_39 = tpu.memref_slice %arg3[%add3A_11, %dma_wait3A_37, %dma_wait3A_38] : memref<1024x2x512xf32, #tpu.memory_space<hbm>> -> memref<1x2x512xf32, #tpu.memory_space<hbm>>
        %dma_wait3A_40 = arith.constant 0 : i32
        %dma_wait3A_41 = arith.constant 0 : i32
        %dma_wait3A_42 = tpu.memref_slice %arg3[%add3A_11, %dma_wait3A_40, %dma_wait3A_41] : memref<1024x2x512xf32, #tpu.memory_space<hbm>> -> memref<1x2x512xf32, #tpu.memory_space<hbm>>
        tpu.wait_dma2 semaphore(%run_scoped3A : memref<!tpu.dma_semaphore, #tpu.memory_space<semaphore_mem>>) src(%dma_wait3A_42 : memref<1x2x512xf32, #tpu.memory_space<hbm>>) dst(%arg7 : memref<1x2x512xf32, #tpu.memory_space<vmem>>)
        tpu.yield
      }) : () -> ()
      %scan3A_16 = arith.constant 0 : i32
      %scan3A_17 = arith.constant 0 : i32
      %scan3A_18 = arith.constant 32 : i32
      %scan3A_19 = arith.addi %scan3A_17, %scan3A_18 : i32
      %scan3A_20 = arith.constant 1 : i32
      %scan3A_21 = scf.for %scan3A_31 = %scan3A_17 to %scan3A_19 step %scan3A_20 iter_args(%scan3A_32 = %scan3A_16) -> (i32)  : i32 {
        %mul3A_33 = arith.constant 16 : i32
        %mul3A_34 = arith.muli %scan3A_31, %mul3A_33 : i32
        %get3A = arith.constant 0 : i32
        %get3A_35 = arith.constant 0 : i32
        %get3A_36 = arith.index_cast %get3A : i32 to index
        %get3A_37 = arith.index_cast %get3A_35 : i32 to index
        %get3A_38 = arith.index_cast %mul3A_34 : i32 to index
        %get3A_39 = tpu.vector_load %arg7[%get3A_36, %get3A_37, %get3A_38] {strides = array<i32>} : memref<1x2x512xf32, #tpu.memory_space<vmem>>, vector<16xf32>,
        %get3A_40 = arith.constant 0 : i32
        %get3A_41 = arith.constant 1 : i32
        %get3A_42 = arith.index_cast %get3A_40 : i32 to index
        %get3A_43 = arith.index_cast %get3A_41 : i32 to index
        %get3A_44 = arith.index_cast %mul3A_34 : i32 to index
        %get3A_45 = tpu.vector_load %arg7[%get3A_42, %get3A_43, %get3A_44] {strides = array<i32>} : memref<1x2x512xf32, #tpu.memory_space<vmem>>, vector<16xf32>,
        %mul3A_46 = arith.constant 1.600000e+01 : f32
        %mul3A_47 = vector.broadcast %mul3A_46 : f32 to vector<16xf32>
        %mul3A_48 = arith.mulf %get3A_39, %mul3A_47 : vector<16xf32>
        %sub3A = arith.constant 5.000000e-01 : f32
        %sub3A_49 = vector.broadcast %sub3A : f32 to vector<16xf32>
        %sub3A_50 = arith.subf %mul3A_48, %sub3A_49 : vector<16xf32>
        %jit3A = arith.constant -1.000000e+00 : f32
        %jit3A_51 = arith.constant 1.600000e+01 : f32
        %max3A = vector.broadcast %jit3A : f32 to vector<16xf32>
        %max3A_52 = arith.maximumf %max3A, %sub3A_50 : vector<16xf32>
        %min3A = vector.broadcast %jit3A_51 : f32 to vector<16xf32>
        %min3A_53 = arith.minimumf %min3A, %max3A_52 : vector<16xf32>
        %mul3A_54 = arith.constant 1.600000e+01 : f32
        %mul3A_55 = vector.broadcast %mul3A_54 : f32 to vector<16xf32>
        %mul3A_56 = arith.mulf %get3A_45, %mul3A_55 : vector<16xf32>
        %sub3A_57 = arith.constant 5.000000e-01 : f32
        %sub3A_58 = vector.broadcast %sub3A_57 : f32 to vector<16xf32>
        %sub3A_59 = arith.subf %mul3A_56, %sub3A_58 : vector<16xf32>
        %jit3A_60 = arith.constant -1.000000e+00 : f32
        %jit3A_61 = arith.constant 1.600000e+01 : f32
        %max3A_62 = vector.broadcast %jit3A_60 : f32 to vector<16xf32>
        %max3A_63 = arith.maximumf %max3A_62, %sub3A_59 : vector<16xf32>
        %min3A_64 = vector.broadcast %jit3A_61 : f32 to vector<16xf32>
        %min3A_65 = arith.minimumf %min3A_64, %max3A_63 : vector<16xf32>
        %add3A_66 = arith.constant 1.600000e+01 : f32
        %add3A_67 = vector.broadcast %add3A_66 : f32 to vector<16xf32>
        %add3A_68 = arith.addf %min3A_53, %add3A_67 : vector<16xf32>
        %convert_element_type3A = arith.fptosi %add3A_68 : vector<16xf32> to vector<16xi32>
        %sub3A_69 = arith.constant 16 : i32
        %sub3A_70 = vector.broadcast %sub3A_69 : i32 to vector<16xi32>
        %sub3A_71 = arith.subi %convert_element_type3A, %sub3A_70 : vector<16xi32>
        %add3A_72 = arith.constant 1.600000e+01 : f32
        %add3A_73 = vector.broadcast %add3A_72 : f32 to vector<16xf32>
        %add3A_74 = arith.addf %min3A_65, %add3A_73 : vector<16xf32>
        %convert_element_type3A_75 = arith.fptosi %add3A_74 : vector<16xf32> to vector<16xi32>
        %sub3A_76 = arith.constant 16 : i32
        %sub3A_77 = vector.broadcast %sub3A_76 : i32 to vector<16xi32>
        %sub3A_78 = arith.subi %convert_element_type3A_75, %sub3A_77 : vector<16xi32>
        %convert_element_type3A_79 = arith.sitofp %sub3A_71 : vector<16xi32> to vector<16xf32>
        %sub3A_80 = arith.subf %min3A_53, %convert_element_type3A_79 : vector<16xf32>
        %convert_element_type3A_81 = arith.sitofp %sub3A_78 : vector<16xi32> to vector<16xf32>
        %sub3A_82 = arith.subf %min3A_65, %convert_element_type3A_81 : vector<16xf32>
        %sub3A_83 = arith.constant 1.000000e+00 : f32
        %sub3A_84 = vector.broadcast %sub3A_83 : f32 to vector<16xf32>
        %sub3A_85 = arith.subf %sub3A_84, %sub3A_80 : vector<16xf32>
        %sub3A_86 = arith.constant 1.000000e+00 : f32
        %sub3A_87 = vector.broadcast %sub3A_86 : f32 to vector<16xf32>
        %sub3A_88 = arith.subf %sub3A_87, %sub3A_82 : vector<16xf32>
        %jit3A_89 = arith.constant 0 : i32
        %jit3A_90 = arith.constant 15 : i32
        %max3A_91 = vector.broadcast %jit3A_89 : i32 to vector<16xi32>
        %max3A_92 = arith.maxsi %max3A_91, %sub3A_71 : vector<16xi32>
        %min3A_93 = vector.broadcast %jit3A_90 : i32 to vector<16xi32>
        %min3A_94 = arith.minsi %min3A_93, %max3A_92 : vector<16xi32>
        %add3A_95 = arith.constant 1 : i32
        %add3A_96 = vector.broadcast %add3A_95 : i32 to vector<16xi32>
        %add3A_97 = arith.addi %sub3A_71, %add3A_96 : vector<16xi32>
        %jit3A_98 = arith.constant 0 : i32
        %jit3A_99 = arith.constant 15 : i32
        %max3A_100 = vector.broadcast %jit3A_98 : i32 to vector<16xi32>
        %max3A_101 = arith.maxsi %max3A_100, %add3A_97 : vector<16xi32>
        %min3A_102 = vector.broadcast %jit3A_99 : i32 to vector<16xi32>
        %min3A_103 = arith.minsi %min3A_102, %max3A_101 : vector<16xi32>
        %jit3A_104 = arith.constant 0 : i32
        %jit3A_105 = arith.constant 15 : i32
        %max3A_106 = vector.broadcast %jit3A_104 : i32 to vector<16xi32>
        %max3A_107 = arith.maxsi %max3A_106, %sub3A_78 : vector<16xi32>
        %min3A_108 = vector.broadcast %jit3A_105 : i32 to vector<16xi32>
        %min3A_109 = arith.minsi %min3A_108, %max3A_107 : vector<16xi32>
        %mul3A_110 = arith.constant 16 : i32
        %mul3A_111 = vector.broadcast %mul3A_110 : i32 to vector<16xi32>
        %mul3A_112 = arith.muli %min3A_109, %mul3A_111 : vector<16xi32>
        %add3A_113 = arith.constant 1 : i32
        %add3A_114 = vector.broadcast %add3A_113 : i32 to vector<16xi32>
        %add3A_115 = arith.addi %sub3A_78, %add3A_114 : vector<16xi32>
        %jit3A_116 = arith.constant 0 : i32
        %jit3A_117 = arith.constant 15 : i32
        %max3A_118 = vector.broadcast %jit3A_116 : i32 to vector<16xi32>
        %max3A_119 = arith.maxsi %max3A_118, %add3A_115 : vector<16xi32>
        %min3A_120 = vector.broadcast %jit3A_117 : i32 to vector<16xi32>
        %min3A_121 = arith.minsi %min3A_120, %max3A_119 : vector<16xi32>
        %mul3A_122 = arith.constant 16 : i32
        %mul3A_123 = vector.broadcast %mul3A_122 : i32 to vector<16xi32>
        %mul3A_124 = arith.muli %min3A_121, %mul3A_123 : vector<16xi32>
        %add3A_125 = arith.addi %mul3A_112, %min3A_94 : vector<16xi32>
        %swap3A = arith.constant 0 : i32
        %swap3A_126 = arith.index_cast %swap3A : i32 to index
        %swap3A_127 = arith.index_cast %mul3A_34 : i32 to index
        %swap3A_128 = tpu.vector_load %arg9[%swap3A_126, %swap3A_127] {strides = array<i32>} : memref<4x512xi32, #tpu.memory_space<vmem>>, vector<16xi32>,
        tpu.vector_store %arg9[%swap3A_126, %swap3A_127], %add3A_125 {strides = array<i32>} : memref<4x512xi32, #tpu.memory_space<vmem>>, vector<16xi32>,
        %add3A_129 = arith.addi %mul3A_112, %min3A_103 : vector<16xi32>
        %swap3A_130 = arith.constant 1 : i32
        %swap3A_131 = arith.index_cast %swap3A_130 : i32 to index
        %swap3A_132 = arith.index_cast %mul3A_34 : i32 to index
        %swap3A_133 = tpu.vector_load %arg9[%swap3A_131, %swap3A_132] {strides = array<i32>} : memref<4x512xi32, #tpu.memory_space<vmem>>, vector<16xi32>,
        tpu.vector_store %arg9[%swap3A_131, %swap3A_132], %add3A_129 {strides = array<i32>} : memref<4x512xi32, #tpu.memory_space<vmem>>, vector<16xi32>,
        %add3A_134 = arith.addi %mul3A_124, %min3A_94 : vector<16xi32>
        %swap3A_135 = arith.constant 2 : i32
        %swap3A_136 = arith.index_cast %swap3A_135 : i32 to index
        %swap3A_137 = arith.index_cast %mul3A_34 : i32 to index
        %swap3A_138 = tpu.vector_load %arg9[%swap3A_136, %swap3A_137] {strides = array<i32>} : memref<4x512xi32, #tpu.memory_space<vmem>>, vector<16xi32>,
        tpu.vector_store %arg9[%swap3A_136, %swap3A_137], %add3A_134 {strides = array<i32>} : memref<4x512xi32, #tpu.memory_space<vmem>>, vector<16xi32>,
        %add3A_139 = arith.addi %mul3A_124, %min3A_103 : vector<16xi32>
        %swap3A_140 = arith.constant 3 : i32
        %swap3A_141 = arith.index_cast %swap3A_140 : i32 to index
        %swap3A_142 = arith.index_cast %mul3A_34 : i32 to index
        %swap3A_143 = tpu.vector_load %arg9[%swap3A_141, %swap3A_142] {strides = array<i32>} : memref<4x512xi32, #tpu.memory_space<vmem>>, vector<16xi32>,
        tpu.vector_store %arg9[%swap3A_141, %swap3A_142], %add3A_139 {strides = array<i32>} : memref<4x512xi32, #tpu.memory_space<vmem>>, vector<16xi32>,
        %mul3A_144 = arith.mulf %sub3A_88, %sub3A_85 : vector<16xf32>
        %swap3A_145 = arith.constant 0 : i32
        %swap3A_146 = arith.index_cast %swap3A_145 : i32 to index
        %swap3A_147 = arith.index_cast %mul3A_34 : i32 to index
        %swap3A_148 = tpu.vector_load %arg10[%swap3A_146, %swap3A_147] {strides = array<i32>} : memref<4x512xf32, #tpu.memory_space<vmem>>, vector<16xf32>,
        tpu.vector_store %arg10[%swap3A_146, %swap3A_147], %mul3A_144 {strides = array<i32>} : memref<4x512xf32, #tpu.memory_space<vmem>>, vector<16xf32>,
        %mul3A_149 = arith.mulf %sub3A_88, %sub3A_80 : vector<16xf32>
        %swap3A_150 = arith.constant 1 : i32
        %swap3A_151 = arith.index_cast %swap3A_150 : i32 to index
        %swap3A_152 = arith.index_cast %mul3A_34 : i32 to index
        %swap3A_153 = tpu.vector_load %arg10[%swap3A_151, %swap3A_152] {strides = array<i32>} : memref<4x512xf32, #tpu.memory_space<vmem>>, vector<16xf32>,
        tpu.vector_store %arg10[%swap3A_151, %swap3A_152], %mul3A_149 {strides = array<i32>} : memref<4x512xf32, #tpu.memory_space<vmem>>, vector<16xf32>,
        %mul3A_154 = arith.mulf %sub3A_82, %sub3A_85 : vector<16xf32>
        %swap3A_155 = arith.constant 2 : i32
        %swap3A_156 = arith.index_cast %swap3A_155 : i32 to index
        %swap3A_157 = arith.index_cast %mul3A_34 : i32 to index
        %swap3A_158 = tpu.vector_load %arg10[%swap3A_156, %swap3A_157] {strides = array<i32>} : memref<4x512xf32, #tpu.memory_space<vmem>>, vector<16xf32>,
        tpu.vector_store %arg10[%swap3A_156, %swap3A_157], %mul3A_154 {strides = array<i32>} : memref<4x512xf32, #tpu.memory_space<vmem>>, vector<16xf32>,
        %mul3A_159 = arith.mulf %sub3A_82, %sub3A_80 : vector<16xf32>
        %swap3A_160 = arith.constant 3 : i32
        %swap3A_161 = arith.index_cast %swap3A_160 : i32 to index
        %swap3A_162 = arith.index_cast %mul3A_34 : i32 to index
        %swap3A_163 = tpu.vector_load %arg10[%swap3A_161, %swap3A_162] {strides = array<i32>} : memref<4x512xf32, #tpu.memory_space<vmem>>, vector<16xf32>,
        tpu.vector_store %arg10[%swap3A_161, %swap3A_162], %mul3A_159 {strides = array<i32>} : memref<4x512xf32, #tpu.memory_space<vmem>>, vector<16xf32>,
        %scan3A_164 = arith.constant 0 : i32
        scf.yield %scan3A_164 : i32
      }
      %scan3A_22 = arith.constant 32 : i32
      %scan3A_23 = arith.constant 0 : i32
      %scan3A_24 = arith.constant 0 : i32
      %scan3A_25 = arith.constant 32 : i32
      %scan3A_26 = arith.addi %scan3A_24, %scan3A_25 : i32
      %scan3A_27 = arith.constant 1 : i32
      %scan3A_28 = scf.for %scan3A_31 = %scan3A_24 to %scan3A_26 step %scan3A_27 iter_args(%scan3A_32 = %scan3A_23) -> (i32)  : i32 {
        %mul3A_33 = arith.constant 16 : i32
        %mul3A_34 = arith.muli %scan3A_31, %mul3A_33 : i32
        %get3A = arith.constant 0 : i32
        %get3A_35 = arith.index_cast %get3A : i32 to index
        %get3A_36 = arith.index_cast %mul3A_34 : i32 to index
        %get3A_37 = tpu.vector_load %arg9[%get3A_35, %get3A_36] {strides = array<i32>} : memref<4x512xi32, #tpu.memory_space<vmem>>, vector<16xi32>,
        %get3A_38 = arith.constant 1 : i32
        %get3A_39 = arith.index_cast %get3A_38 : i32 to index
        %get3A_40 = arith.index_cast %mul3A_34 : i32 to index
        %get3A_41 = tpu.vector_load %arg9[%get3A_39, %get3A_40] {strides = array<i32>} : memref<4x512xi32, #tpu.memory_space<vmem>>, vector<16xi32>,
        %get3A_42 = arith.constant 2 : i32
        %get3A_43 = arith.index_cast %get3A_42 : i32 to index
        %get3A_44 = arith.index_cast %mul3A_34 : i32 to index
        %get3A_45 = tpu.vector_load %arg9[%get3A_43, %get3A_44] {strides = array<i32>} : memref<4x512xi32, #tpu.memory_space<vmem>>, vector<16xi32>,
        %get3A_46 = arith.constant 3 : i32
        %get3A_47 = arith.index_cast %get3A_46 : i32 to index
        %get3A_48 = arith.index_cast %mul3A_34 : i32 to index
        %get3A_49 = tpu.vector_load %arg9[%get3A_47, %get3A_48] {strides = array<i32>} : memref<4x512xi32, #tpu.memory_space<vmem>>, vector<16xi32>,
        %get3A_50 = arith.constant 0 : i32
        %get3A_51 = arith.index_cast %get3A_50 : i32 to index
        %get3A_52 = arith.index_cast %mul3A_34 : i32 to index
        %get3A_53 = tpu.vector_load %arg10[%get3A_51, %get3A_52] {strides = array<i32>} : memref<4x512xf32, #tpu.memory_space<vmem>>, vector<16xf32>,
        %get3A_54 = arith.constant 1 : i32
        %get3A_55 = arith.index_cast %get3A_54 : i32 to index
        %get3A_56 = arith.index_cast %mul3A_34 : i32 to index
        %get3A_57 = tpu.vector_load %arg10[%get3A_55, %get3A_56] {strides = array<i32>} : memref<4x512xf32, #tpu.memory_space<vmem>>, vector<16xf32>,
        %get3A_58 = arith.constant 2 : i32
        %get3A_59 = arith.index_cast %get3A_58 : i32 to index
        %get3A_60 = arith.index_cast %mul3A_34 : i32 to index
        %get3A_61 = tpu.vector_load %arg10[%get3A_59, %get3A_60] {strides = array<i32>} : memref<4x512xf32, #tpu.memory_space<vmem>>, vector<16xf32>,
        %get3A_62 = arith.constant 3 : i32
        %get3A_63 = arith.index_cast %get3A_62 : i32 to index
        %get3A_64 = arith.index_cast %mul3A_34 : i32 to index
        %get3A_65 = tpu.vector_load %arg10[%get3A_63, %get3A_64] {strides = array<i32>} : memref<4x512xf32, #tpu.memory_space<vmem>>, vector<16xf32>,
        %scan3A_66 = arith.constant 0 : i32
        %scan3A_67 = arith.constant 128 : i32
        %scan3A_68 = arith.addi %scan3A_66, %scan3A_67 : i32
        %scan3A_69 = arith.constant 2 : i32
        %scan3A_70:5 = scf.for %scan3A_73 = %scan3A_66 to %scan3A_68 step %scan3A_69 iter_args(%scan3A_74 = %get3A_37, %scan3A_75 = %get3A_41, %scan3A_76 = %get3A_45, %scan3A_77 = %get3A_49, %scan3A_78 = %mul3A_34) -> (vector<16xi32>, vector<16xi32>, vector<16xi32>, vector<16xi32>, i32)  : i32 {
          %gather3A_79 = tpu.vector_load_idx %arg8[%scan3A_74] : memref<32768xf32, #tpu.memory_space<vmem>>[vector<16xi32>], vector<16xf32>,
          %gather3A_80 = tpu.vector_load_idx %arg8[%scan3A_75] : memref<32768xf32, #tpu.memory_space<vmem>>[vector<16xi32>], vector<16xf32>,
          %gather3A_81 = tpu.vector_load_idx %arg8[%scan3A_76] : memref<32768xf32, #tpu.memory_space<vmem>>[vector<16xi32>], vector<16xf32>,
          %gather3A_82 = tpu.vector_load_idx %arg8[%scan3A_77] : memref<32768xf32, #tpu.memory_space<vmem>>[vector<16xi32>], vector<16xf32>,
          %mul3A_83 = arith.mulf %gather3A_79, %get3A_53 : vector<16xf32>
          %mul3A_84 = arith.mulf %gather3A_80, %get3A_57 : vector<16xf32>
          %add3A_85 = arith.addf %mul3A_83, %mul3A_84 : vector<16xf32>
          %mul3A_86 = arith.mulf %gather3A_81, %get3A_61 : vector<16xf32>
          %add3A_87 = arith.addf %add3A_85, %mul3A_86 : vector<16xf32>
          %mul3A_88 = arith.mulf %gather3A_82, %get3A_65 : vector<16xf32>
          %add3A_89 = arith.addf %add3A_87, %mul3A_88 : vector<16xf32>
          %swap3A = arith.constant 0 : i32
          %swap3A_90 = arith.index_cast %swap3A : i32 to index
          %swap3A_91 = arith.index_cast %scan3A_78 : i32 to index
          %swap3A_92 = tpu.vector_load %arg11[%swap3A_90, %swap3A_91] {strides = array<i32>} : memref<1x65536xf32, #tpu.memory_space<vmem>>, vector<16xf32>,
          tpu.vector_store %arg11[%swap3A_90, %swap3A_91], %add3A_89 {strides = array<i32>} : memref<1x65536xf32, #tpu.memory_space<vmem>>, vector<16xf32>,
          %add3A_93 = arith.constant 256 : i32
          %add3A_94 = vector.broadcast %add3A_93 : i32 to vector<16xi32>
          %add3A_95 = arith.addi %scan3A_74, %add3A_94 : vector<16xi32>
          %add3A_96 = arith.constant 256 : i32
          %add3A_97 = vector.broadcast %add3A_96 : i32 to vector<16xi32>
          %add3A_98 = arith.addi %scan3A_75, %add3A_97 : vector<16xi32>
          %add3A_99 = arith.constant 256 : i32
          %add3A_100 = vector.broadcast %add3A_99 : i32 to vector<16xi32>
          %add3A_101 = arith.addi %scan3A_76, %add3A_100 : vector<16xi32>
          %add3A_102 = arith.constant 256 : i32
          %add3A_103 = vector.broadcast %add3A_102 : i32 to vector<16xi32>
          %add3A_104 = arith.addi %scan3A_77, %add3A_103 : vector<16xi32>
          %add3A_105 = arith.constant 512 : i32
          %add3A_106 = arith.addi %scan3A_78, %add3A_105 : i32
          %scan3A_107 = arith.constant 1 : i32
          %scan3A_108 = arith.addi %scan3A_73, %scan3A_107 : i32
          %gather3A_109 = tpu.vector_load_idx %arg8[%add3A_95] : memref<32768xf32, #tpu.memory_space<vmem>>[vector<16xi32>], vector<16xf32>,
          %gather3A_110 = tpu.vector_load_idx %arg8[%add3A_98] : memref<32768xf32, #tpu.memory_space<vmem>>[vector<16xi32>], vector<16xf32>,
          %gather3A_111 = tpu.vector_load_idx %arg8[%add3A_101] : memref<32768xf32, #tpu.memory_space<vmem>>[vector<16xi32>], vector<16xf32>,
          %gather3A_112 = tpu.vector_load_idx %arg8[%add3A_104] : memref<32768xf32, #tpu.memory_space<vmem>>[vector<16xi32>], vector<16xf32>,
          %mul3A_113 = arith.mulf %gather3A_109, %get3A_53 : vector<16xf32>
          %mul3A_114 = arith.mulf %gather3A_110, %get3A_57 : vector<16xf32>
          %add3A_115 = arith.addf %mul3A_113, %mul3A_114 : vector<16xf32>
          %mul3A_116 = arith.mulf %gather3A_111, %get3A_61 : vector<16xf32>
          %add3A_117 = arith.addf %add3A_115, %mul3A_116 : vector<16xf32>
          %mul3A_118 = arith.mulf %gather3A_112, %get3A_65 : vector<16xf32>
          %add3A_119 = arith.addf %add3A_117, %mul3A_118 : vector<16xf32>
          %swap3A_120 = arith.constant 0 : i32
          %swap3A_121 = arith.index_cast %swap3A_120 : i32 to index
          %swap3A_122 = arith.index_cast %add3A_106 : i32 to index
          %swap3A_123 = tpu.vector_load %arg11[%swap3A_121, %swap3A_122] {strides = array<i32>} : memref<1x65536xf32, #tpu.memory_space<vmem>>, vector<16xf32>,
          tpu.vector_store %arg11[%swap3A_121, %swap3A_122], %add3A_119 {strides = array<i32>} : memref<1x65536xf32, #tpu.memory_space<vmem>>, vector<16xf32>,
          %add3A_124 = arith.constant 256 : i32
          %add3A_125 = vector.broadcast %add3A_124 : i32 to vector<16xi32>
          %add3A_126 = arith.addi %add3A_95, %add3A_125 : vector<16xi32>
          %add3A_127 = arith.constant 256 : i32
          %add3A_128 = vector.broadcast %add3A_127 : i32 to vector<16xi32>
          %add3A_129 = arith.addi %add3A_98, %add3A_128 : vector<16xi32>
          %add3A_130 = arith.constant 256 : i32
          %add3A_131 = vector.broadcast %add3A_130 : i32 to vector<16xi32>
          %add3A_132 = arith.addi %add3A_101, %add3A_131 : vector<16xi32>
          %add3A_133 = arith.constant 256 : i32
          %add3A_134 = vector.broadcast %add3A_133 : i32 to vector<16xi32>
          %add3A_135 = arith.addi %add3A_104, %add3A_134 : vector<16xi32>
          %add3A_136 = arith.constant 512 : i32
          %add3A_137 = arith.addi %add3A_106, %add3A_136 : i32
          scf.yield %add3A_126, %add3A_129, %add3A_132, %add3A_135, %add3A_137 : vector<16xi32>, vector<16xi32>, vector<16xi32>, vector<16xi32>, i32
        }
        %scan3A_71 = arith.constant 128 : i32
        %scan3A_72 = arith.constant 0 : i32
        scf.yield %scan3A_72 : i32
      }
      %scan3A_29 = arith.constant 32 : i32
      "tpu.region"() ({
        %run_scoped3A = tpu.sem_alloc : memref<!tpu.dma_semaphore, #tpu.memory_space<semaphore_mem>>
        %dma_start3A_31 = arith.constant 0 : i32
        %dma_start3A_32 = tpu.memref_slice %arg5[%add3A_11, %dma_start3A_31] : memref<1024x65536xf32, #tpu.memory_space<hbm>> -> memref<1x65536xf32, #tpu.memory_space<hbm>>
        %dma_start3A_33 = arith.constant 0 : i32
        %dma_start3A_34 = tpu.memref_slice %arg5[%add3A_11, %dma_start3A_33] : memref<1024x65536xf32, #tpu.memory_space<hbm>> -> memref<1x65536xf32, #tpu.memory_space<hbm>>
        tpu.enqueue_dma source(%arg11 : memref<1x65536xf32, #tpu.memory_space<vmem>>) target(%dma_start3A_34 : memref<1x65536xf32, #tpu.memory_space<hbm>>) target_semaphore(%run_scoped3A : memref<!tpu.dma_semaphore, #tpu.memory_space<semaphore_mem>>)
        %dma_wait3A_35 = arith.constant 0 : i32
        %dma_wait3A_36 = tpu.memref_slice %arg5[%add3A_11, %dma_wait3A_35] : memref<1024x65536xf32, #tpu.memory_space<hbm>> -> memref<1x65536xf32, #tpu.memory_space<hbm>>
        %dma_wait3A_37 = arith.constant 0 : i32
        %dma_wait3A_38 = tpu.memref_slice %arg5[%add3A_11, %dma_wait3A_37] : memref<1024x65536xf32, #tpu.memory_space<hbm>> -> memref<1x65536xf32, #tpu.memory_space<hbm>>
        tpu.wait_dma2 semaphore(%run_scoped3A : memref<!tpu.dma_semaphore, #tpu.memory_space<semaphore_mem>>) src(%arg11 : memref<1x65536xf32, #tpu.memory_space<vmem>>) dst(%dma_wait3A_38 : memref<1x65536xf32, #tpu.memory_space<hbm>>)
        tpu.yield
      }) : () -> ()
      %scan3A_30 = arith.constant 0 : i32
      scf.yield %scan3A_30 : i32
    }
    %scan3A_8 = arith.constant 32 : i32
    return
  }
}

</mosaic_0001>

<sc_bundles>
// kernel: kernel.3.cloned.1.call-start
scs
__scs_entry_jumppad:
0x0: {  	(pc) =	sbr.rel $0x88, $3  }
0x1: {  	(tag) =	ssettag $0x0;
	lr =	simm.s32 $0x1  }
0x2: {  	[smem:$0x3F9E] =	sst lr;
	_ =	strace $0xD0000000  }
0x3: {  	_ = 	snop  }
0x4: {  	_ = 	snop  }
0x5: {  	_ = 	snop  }
0x6: {  	_ = 	snop  }
0x7: {  	_ = 	snop  }
__scs_overlays_trampoline_lowered:
0x8: {  	[smem:$0x3FAD] =	sst s0  }
0x9: {  	[smem:$0x3FAE] =	sst s1  }
0xa: {  	[smem:$0x3FAF] =	sst s2  }
0xb: {  	[smem:$0x3FB0] =	sst s3  }
0xc: {  	[smem:$0x3FB1] =	sst s4  }
0xd: {  	[smem:$0x3FB2] =	sst s5  }
0xe: {  	[smem:$0x3FB3] =	sst s6  }
0xf: {  	[smem:$0x3FB4] =	sst s7  }
0x10: {  	[smem:$0x3FB5] =	sst s8  }
0x11: {  	[smem:$0x3FB6] =	sst s9;
	s0 =	simm.s32 @!p0 $0x0  }
0x12: {  	s1 =	sld [smem:$0x3F9C];
	s0 =	simm.s32 @p0 $0x1  }
0x13: {  	[smem:$0x3FB7] =	sst s0;
	s0 =	simm.s32 @!p1 $0x0  }
0x14: {  	s2 =	sld [smem:$0x3F9B];
	s0 =	simm.s32 @p1 $0x1  }
0x15: {  	[smem:$0x3FB8] =	sst s0;
	s0 =	simm.s32 @!p2 $0x0  }
0x16: {  	s3 =	sld [smem:$0x3FDB];
	s0 =	simm.s32 @p2 $0x1  }
0x17: {  	s4 =	simm.s32 $0x1BF5;
	[smem:$0x3FBA] =	sst s0  }
0x18: {  	s0 =	sld [smem:$0x3F9D];
	_ =	swait.ge [sflag:s4], $0x0  }
0x19: {  	s7 =	sld [smem:$0x3F9E]  }
0x1a: {  	s8 =	sadd.s32 $0xFFFFE003, lr  }
0x1b: {  	s9 =	sadd.s32 $0xFFFFFEF7, lr;
	s5 =	simm.s32 $0xFFFFFFFF;
	p2 =	slt.u32 s8, $0xFFFFF086  }
0x1c: {  	p1 =	slt.u32 s9, $0xF7A;
	s5 =	simm.s32 @!p2 $0x0  }
0x1d: {  	s5 =	simm.s32 @p1 $0x1;
	p0 =	seq.s32 s7, s2  }
0x1e: {  	s7 =	smul.u32 @!p0 $0xF7A, s2;
	p2 =	seq.s32 @!p0 s5, $0x0  }
0x1f: {  	s9 =	smul.u32 $0xF7A, s1;
	s8 =	simm.s32 @!p0 $0x1BF5;
	p2 =	por !p2, p0  }
0x20: {  	[sflag:s8] =	ssyncset.s32 @!p0 $0xFFFFF086;
	s6 =	sadd.s32 @!p0 s3, s7;
	s7 =	simm.s32 @!p0 $0x108  }
0x21: {  	s3 =	sadd.s32 s3, s9;
	s6 =	sadd.s32 @!p0 $0x88, s6;
	s7 =	simm.s32 @p2 $0x1082  }
0x22: {  	[simem:s7], [sflag:s8] =	dma.local @!p0 [hbm:s6], $0xF7A  }
0x23: {  	s9 =	sor.u32 $0xD0000000, s2;
	s6 =	simm.s32 $0x108;
	_ =	swait.ge @!p0 [sflag:s8], $0x0  }
0x24: {  	s3 =	sadd.s32 $0x88, s3;
	s6 =	simm.s32 @!p1 $0x1082;
	[sflag:s4] =	ssyncset.s32 $0xFFFFF086  }
0x25: {  	[simem:s6], [sflag:s4] =	dma.local [hbm:s3], $0xF7A  }
0x26: {  	[smem:$0x3F9E] =	sst s1;
	(tag) =	ssettag s2;
	_ =	strace s9  }
0x27: {  	s1 =	sld [smem:$0x3FAE]  }
0x28: {  	s2 =	sld [smem:$0x3FAF]  }
0x29: {  	s4 =	sld [smem:$0x3FB1]  }
0x2a: {  	p0 =	seq.s32 s5, $0x0;
	s5 =	sld [smem:$0x3FB2]  }
0x2b: {  	s6 =	sld [smem:$0x3FB3]  }
0x2c: {  	s7 =	sld [smem:$0x3FB4]  }
0x2d: {  	s3 =	simm.s32 $0x108;
	s8 =	sld [smem:$0x3FB5]  }
0x2e: {  	s3 =	simm.s32 @!p0 $0x1082;
	s9 =	sld [smem:$0x3FB6]  }
0x2f: {  	lr =	sadd.s32 s0, s3;
	s0 =	sld [smem:$0x3FAD]  }
0x30: {  	s3 =	sld [smem:$0x3FB0]  }
0x31: {  	[smem:$0x3FB9] =	sst s10  }
0x32: {  	s10 =	sld [smem:$0x3FB7];
	_ =	sdelay $0x3  }
0x33: {  	p0 =	seq.s32 s10, $0x1;
	s10 =	sld [smem:$0x3FB9];
	_ =	sdelay $0x3  }
0x34: {  	[smem:$0x3FB9] =	sst s10  }
0x35: {  	s10 =	sld [smem:$0x3FB8];
	_ =	sdelay $0x3  }
0x36: {  	p1 =	seq.s32 s10, $0x1;
	s10 =	sld [smem:$0x3FB9];
	_ =	sdelay $0x3  }
0x37: {  	[smem:$0x3FB9] =	sst s10  }
0x38: {  	s10 =	sld [smem:$0x3FBA]  }
0x39: {  	_ = 	snop;
	(pc) =	sbr.ind lr, $3  }
0x3a: {  	_ = 	snop  }
0x3b: {  	_ = 	snop  }
0x3c: {  	p2 =	seq.s32 s10, $0x1;
	s10 =	sld [smem:$0x3FB9]  }
0x3d: {  	_ =	shalt  }
0x3e: {  	_ =	shalt  }
0x3f: {  	_ =	shalt  }
0x40: {  	_ =	shalt  }
0x41: {  	_ =	shalt  }
0x42: {  	_ =	shalt  }
0x43: {  	_ =	shalt  }
0x44: {  	_ =	shalt  }
0x45: {  	_ =	shalt  }
0x46: {  	_ =	shalt  }
0x47: {  	_ =	shalt  }
0x48: {  	_ =	shalt  }
0x49: {  	_ =	shalt  }
0x4a: {  	_ =	shalt  }
0x4b: {  	_ =	shalt  }
0x4c: {  	_ =	shalt  }
0x4d: {  	_ =	shalt  }
0x4e: {  	_ =	shalt  }
0x4f: {  	_ =	shalt  }
0x50: {  	_ =	shalt  }
0x51: {  	_ =	shalt  }
0x52: {  	_ =	shalt  }
0x53: {  	_ =	shalt  }
0x54: {  	_ =	shalt  }
0x55: {  	_ =	shalt  }
0x56: {  	_ =	shalt  }
0x57: {  	_ =	shalt  }
0x58: {  	_ =	shalt  }
0x59: {  	_ =	shalt  }
0x5a: {  	_ =	shalt  }
0x5b: {  	_ =	shalt  }
0x5c: {  	_ =	shalt  }
0x5d: {  	_ =	shalt  }
0x5e: {  	_ =	shalt  }
0x5f: {  	_ =	shalt  }
0x60: {  	_ =	shalt  }
0x61: {  	_ =	shalt  }
0x62: {  	_ =	shalt  }
0x63: {  	_ =	shalt  }
0x64: {  	_ =	shalt  }
0x65: {  	_ =	shalt  }
0x66: {  	_ =	shalt  }
0x67: {  	_ =	shalt  }
0x68: {  	_ =	shalt  }
0x69: {  	_ =	shalt  }
0x6a: {  	_ =	shalt  }
0x6b: {  	_ =	shalt  }
0x6c: {  	_ =	shalt  }
0x6d: {  	_ =	shalt  }
0x6e: {  	_ =	shalt  }
0x6f: {  	_ =	shalt  }
0x70: {  	_ =	shalt  }
0x71: {  	_ =	shalt  }
0x72: {  	_ =	shalt  }
0x73: {  	_ =	shalt  }
0x74: {  	_ =	shalt  }
0x75: {  	_ =	shalt  }
0x76: {  	_ =	shalt  }
0x77: {  	_ =	shalt  }
0x78: {  	_ =	shalt  }
0x79: {  	_ =	shalt  }
0x7a: {  	_ =	shalt  }
0x7b: {  	_ =	shalt  }
0x7c: {  	_ =	shalt  }
0x7d: {  	_ =	shalt  }
0x7e: {  	_ =	shalt  }
0x7f: {  	_ =	shalt  }
0x80: {  	_ =	shalt  }
0x81: {  	_ =	shalt  }
0x82: {  	_ =	shalt  }
0x83: {  	_ =	shalt  }
0x84: {  	_ =	shalt  }
0x85: {  	_ =	shalt  }
0x86: {  	_ =	shalt  }
0x87: {  	_ =	shalt  }
.Lfunc_end0:
.L_simem_size_0:
called_computation.1_lowered:
.L_overlay_start_0:
0x88: {  	s2 =	sld [smem:$0x3FD9]  }
0x89: {  	s3 =	sld [smem:$0x3FFE];
	_ =	sdelay $0x1  }
0x8a: {  	s1 =	srdreg.scid  }
0x8b: {  	s0 =	sand.u32 $0x1, s1  }
0x8c: {  	s17 =	sshll.u32 s0, $0xA;
	s2 =	sadd.s32 s3, s2  }
0x8d: {  	s2 =	sadd.s32 s2, s17  }
0x8e: {  	[smem:$0x3FC5] =	sst s2  }
0x8f: {  	_ = 	snop  }
0x90: {  	s2 =	sld [smem:$0x3FC9]  }
0x91: {  	s18 =	sld [smem:$0x3FC8]  }
0x92: {  	s4 =	sld [smem:$0x3FD0];
	(tm) =	ssettm $0x1  }
0x93: {  	s5 =	sld [smem:$0x3FFB];
	_ =	sdelay $0x3  }
0x94: {  	_ =	strace s5  }
0x95: {  	s5 =	sld [smem:$0x3FFC];
	_ =	sdelay $0x3  }
0x96: {  	_ =	strace s5  }
0x97: {  	s5 =	sld [smem:$0x3FFD];
	_ =	sdelay $0x3  }
0x98: {  	_ =	strace s5  }
0x99: {  	_ =	strace $0x8FFFFFFF  }
0x9a: {  	s19 =	sld [smem:$0x3FDB];
	_ =	sdelay $0x1  }
0x9b: {  	s6 =	simm.s32 $_scs_section_size  }
0x9c: {  	s7 =	simm.s32 $_size__tile_overlayer_lowered;
	s8 =	simm.s32 $_tile_overlayer_lowered  }
0x9d: {  	s22 =	simm.s32 $0x1BFF;
	s21 =	sshll.u32 s8, $0x1;
	s5 =	sadd.s32 s6, s19  }
0x9e: {  	s9 =	simm.s32 $0x0;
	s20 =	sshll.u32 s7, $0x1;
	s7 =	sadd.s32 s21, s5  }
0x9f: {  	[timem:s9], [sflag:s22] =	dma.local [hbm:s7], s20  }
0xa0: {  	_ =	swait.ge [sflag:s22], s20  }
0xa1: {  	s6 =	ssub.s32 $0x0, s20;
	[sflag:s22] =	ssyncset.done $0x0  }
0xa2: {  	[sflag:s22] =	ssyncadd.s32 s6;
	_ =	sdelay $0x1  }
0xa3: {  	s23 =	simm.s32 $0x1B8B  }
0xa4: {  	_ =	swait.ge [sflag:s23], $0x1  }
0xa5: {  	[sflag:s23] =	ssyncset.done $0x0  }
0xa6: {  	s25 =	simm.s32 $0x1B8E;
	s24 =	sld [smem:$0x3FFE];
	[sflag:s23] =	ssyncadd.s32 $0xFFFFFFFF  }
0xa7: {  	s26 =	simm.s32 $execute0_lowered;
	[smem:$0x3FD2] =	sst s25  }
0xa8: {  	s7 =	sshll.u32 s26, $0x1;
	_ =	strace $0x80000046;
	[dreg:$0x1] =	wrdreg $0xFFFFFFFF  }
0xa9: {  	s28 =	simm.s32 $_size_execute0_lowered;
	s5 =	sadd.s32 s5, s7;
	[dreg:$0x0] =	wrdreg $0x0  }
0xaa: {  	s7 =	sshll.u32 s28, $0x1;
	[dreg:$0x2] =	wrdreg s5  }
0xab: {  	[dreg:$0x3] =	wrdreg s7  }
0xac: {  	[dreg:$0x4] =	wrdreg $0xC0  }
0xad: {  	_ =	task [dreg:s9], $0x5FFFF  }
0xae: {  	[dreg:$0x1] =	wrdreg $0xFFFFFFFF  }
0xaf: {  	[dreg:$0x0] =	wrdreg $0x60  }
0xb0: {  	[dreg:$0x2] =	wrdreg s2  }
0xb1: {  	[dreg:$0x3] =	wrdreg s18  }
0xb2: {  	[dreg:$0x4] =	wrdreg s4  }
0xb3: {  	[dreg:$0x5] =	wrdreg s24  }
0xb4: {  	[dreg:$0x6] =	wrdreg $0x9  }
0xb5: {  	_ =	task.clear_ibuf [dreg:s9], $0x7FFFF;
	_ =	strace $0x90000046  }
0xb6: {  	s29 =	simm.s32 $0x9;
	_ =	strace $0x80000048  }
0xb7: {  	_ =	swait.ge [sflag:s29], $0x1  }
0xb8: {  	[sflag:s29] =	ssyncadd.s32 $0xFFFFFFFF  }
0xb9: {  	_ =	strace $0x90000048  }
0xba: {  	_ =	sfence  }
0xbb: {  	s30 =	sld [smem:$0x0];
	_ =	sdelay $0x2  }
0xbc: {  	s31 =	sshll.u32 s1, $0xD;
	s1 =	sshrl.u32 s1, $0x2  }
0xbd: {  	s3 =	sand.u32 $0x4000, s31;
	s1 =	sadd.s32 s1, s30  }
0xbe: {  	s0 =	sor.u32 s3, s0;
	s1 =	sshll.u32 s1, $0x11  }
0xbf: {  	s0 =	sor.u32 s1, s0  }
0xc0: {  	s0 =	sadd.s32 $0x8F2B, s0  }
0xc1: {  	[sflag:s0] =	ssyncadd.remote.s32 $0x1  }
0xc2: {  	_ =	sfence.sel $0xFFFF  }
0xc3: {  	[dreg:$0x0] =	wrdreg $0xFFFFFFFF;
	(pc) =	sbr.abs _section_cstart, $3  }
0xc4: {  	[dreg:$0x1] =	wrdreg $0xFFFFFFFF  }
0xc5: {  	_ =	task.clear_ibuf [dreg:s9], $0x2FFFF;
	_ =	strace $0x9FFFFFFF  }
0xc6: {  	(tm) =	ssettm $0x7FFFFFFF  }
0xc7: {  	_ =	shalt  }
tec
execute0_lowered:
.L_overlay_start_1:
0x0: {  	(tag) =	ssettag $0x1  }
0x1: {  	s7 =	rddreg [dreg:$0x0]  }
0x2: {  	s1 =	rddreg [dreg:$0x1]  }
0x3: {  	s2 =	rddreg [dreg:$0x2]  }
0x4: {  	s6 =	rddreg [dreg:$0x3]  }
0x5: {  	s0 =	rddreg [dreg:$0x4];
	s4 =	simm.s32 $0x0;
	s5 =	srdreg.scid  }
0x6: {  	s3 =	stileid.u32;
	s11 =	simm.s32 $0x1;
	s12 =	simm.s32 $0x80  }
0x7: {  	s13 =	simm.s32 $0x400;
	s14 =	simm.s32 $0x9480;
	s15 =	simm.s32 $0x0  }
0x8: {  	[smem:$0x7FF] =	sst s4;
	s5 =	sand.u32 $0x1, s5;
	s9 =	sshll.u32 s3, $0x6  }
0x9: {  	s6 =	sadd.s32 $0x800, s6;
	s8 =	ssub.s32 $0x2, s5;
	s5 =	sshll.u32 s5, $0x5  }
0xa: {  	_ =	strace $0x80000047;
	s10 =	sshrl.u32 s8, $0x1;
	s5 =	sor.u32 s5, s9  }
0xb: {  	s8 =	ssub.s32 s8, s10;
	s9 =	sshrl.u32 s5, $0x3;
	s10 =	simm.s32 $0x480  }
0xc: {  	s7 =	sadd.s32 s7, s9;
	s8 =	smax.u32 s8, $0x1;
	s9 =	simm.s32 $0x2  }
.LBB2_1:
0xd: {  	[tilespmem:s4], [sflag:$0x2] =	stream.linear.gather [hbm4b:s7+s4], $0x20, $0x38;
	[tilespmem:$0x19480] =	vst v63  }
0xe: {  	_ =	swait.ge [sflag:s9], $0x20  }
0xf: {  	[sflag:s9] =	ssyncset.done $0x0  }
0x10: {  	s16 =	simm.s32 $0x0;
	[sflag:s9] =	ssyncadd.s32 $0xFFFFFFE0  }
.LBB2_2:
0x11: {  	v0 =	vmov s16;
	_ =	sdelay $0x3  }
0x12: {  	s17 =	simm.s32 $0x0  }
0x13: {  	v0 =	vld.idx.msk [tilespmem:v0+s17+$0x0], $0xffff;
	_ =	sdelay $0x4  }
0x14: {  	(v2sf) =	vpush v0, $0x0;
	_ =	sdelay $0xe  }
0x15: {  	s18 =	spop (v2sf)  }
0x16: {  	s18 =	sshll.u32 s18, $0xC  }
0x17: {  	s18 =	sand.u32 $0x1FFFF000, s18  }
0x18: {  	s18 =	sadd.s32 s2, s18  }
0x19: {  	[tilespmem:s10], [sflag:$0x1] =	stream.linear.gather [hbm4b:s18+s17], $0x8000, $0x38;
	[tilespmem:$0x19480] =	vst v63  }
0x1a: {  	s18 =	sor.u32 s5, s16;
	_ =	swait.ge [sflag:s11], $0x8000  }
0x1b: {  	s19 =	sshll.u32 s18, $0x7;
	[sflag:s11] =	ssyncset.done $0x0  }
0x1c: {  	s19 =	sadd.s32 s1, s19;
	[sflag:s11] =	ssyncadd.s32 $0xFFFF8000  }
0x1d: {  	[tilespmem:s12], [sflag:$0x2] =	stream.linear.gather [hbm4b:s19+s17], $0x400, $0x38;
	[tilespmem:$0x19480] =	vst v63  }
0x1e: {  	s30 =	simm.s32 $0x0;
	_ =	swait.ge [sflag:s9], $0x400  }
0x1f: {  	s20 =	sand.u32 $0x70, s17;
	s19 =	sand.u32 $0x3FFFFF00, s30;
	[sflag:s9] =	ssyncset.done $0x0  }
0x20: {  	s19 =	sor.u32 s20, s19;
	[sflag:s9] =	ssyncadd.s32 $0xFFFFFC00  }
0x21: {  	v0 =	vld [tilespmem:s19+$0x80]  }
0x22: {  	v1 =	vld [tilespmem:s19+$0x100];
	_ =	sdelay $0x3  }
0x23: {  	v0 =	vmul.f32 $1.600000000e+01, v0  }
0x24: {  	v1 =	vmul.f32 $1.600000000e+01, v1  }
0x25: {  	v0 =	vadd.f32 $-5.000000000e-01, v0  }
0x26: {  	v1 =	vadd.f32 $-5.000000000e-01, v1  }
0x27: {  	v0 =	vmax.f32 v0, $-1.000000000e+00  }
0x28: {  	v1 =	vmax.f32 v1, $-1.000000000e+00;
	v0 =	vmin.f32 v0, $1.600000000e+01  }
0x29: {  	v1 =	vmin.f32 v1, $1.600000000e+01;
	v2 =	vadd.f32 $1.600000000e+01, v0  }
0x2a: {  	v3 =	vadd.f32 $1.600000000e+01, v1  }
0x2b: {  	v2 =	vtrunc.f32 v2  }
0x2c: {  	v3 =	vtrunc.f32 v3;
	v2 =	vcvt.f32.s32 v2  }
0x2d: {  	v3 =	vcvt.f32.s32 v3  }
0x2e: {  	v4 =	vadd.s32 $0xFFFFFFF0, v2;
	v2 =	vadd.s32 $0xFFFFFFF1, v2  }
0x2f: {  	v5 =	vadd.s32 $0xFFFFFFF0, v3;
	v3 =	vadd.s32 $0xFFFFFFF1, v3;
	v6 =	vcvt.s32.f32 v4  }
0x30: {  	vm0 =	vgt.s32 v2, $0x0;
	v7 =	vcvt.s32.f32 v5;
	vm14 =	vgt.s32 v5, $0x0  }
0x31: {  	vm15 =	vgt.s32 v4, $0x0;
	vm1 =	vgt.s32 v3, $0x0;
	v2 =	vnsel vm0, $0x0, v2  }
0x32: {  	v5 =	vnsel vm14, $0x0, v5;
	v0 =	vsub.f32 v0, v6;
	v1 =	vsub.f32 v1, v7  }
0x33: {  	v4 =	vnsel vm15, $0x0, v4;
	v8 =	vnsel vm1, $0x0, v3;
	v2 =	vmin.u32 v2, $0xF  }
0x34: {  	s31 =	simm.s32 $0x0;
	v5 =	vmin.u32 v5, $0xF;
	v7 =	vsub.f32 $1.000000000e+00, v0;
	v9 =	vsub.f32 $1.000000000e+00, v1  }
0x35: {  	s21 =	sand.u32 $0xFFFFFE00, s31;
	v6 =	vmin.u32 v4, $0xF;
	v8 =	vmin.u32 v8, $0xF;
	v5 =	vshll.u32 v5, $0x4  }
0x36: {  	s23 =	sor.u32 s20, s21;
	v10 =	vor.u32 v2, v5;
	v3 =	vmul.f32 v7, v1;
	v4 =	vmul.f32 v9, v7  }
0x37: {  	s22 =	sor.u32 s21, s17;
	s20 =	simm.s32 $0x0;
	s19 =	simm.s32 $0x1;
	[tilespmem:s23+$0x8500] =	vst v10;
	v7 =	vshll.u32 v8, $0x4;
	v8 =	vor.u32 v6, v5;
	v5 =	vmul.f32 v9, v0  }
.LBB2_3:
0x38: {  	p0 =	sne.s32 s19, $0x1F  }
0x39: {  	[tilespmem:s23+$0x8480] =	vst v8;
	v6 =	vor.u32 v6, v7;
	v0 =	vmul.f32 v1, v0;
	s20 =	sadd.s32 $0x10, s20;
	s21 =	smov.u32 s19;
	s19 =	sadd.s32 $0x1, s19  }
0x3a: {  	v1 =	vor.u32 v2, v7;
	s24 =	sor.u32 $0x180, s22;
	[tilespmem:s23+$0x8580] =	vst v6  }
0x3b: {  	[tilespmem:s24+$0x8480] =	vst v1  }
0x3c: {  	[tilespmem:s23+$0x8C80] =	vst v4  }
0x3d: {  	s25 =	sshll.u32 s21, $0x5;
	[tilespmem:s23+$0x8D00] =	vst v5  }
0x3e: {  	s22 =	sand.u32 $0x70, s20;
	s25 =	sand.u32 $0x3FFFFF00, s25;
	[tilespmem:s23+$0x8D80] =	vst v3  }
0x3f: {  	s23 =	sor.u32 s22, s25;
	[tilespmem:s24+$0x8C80] =	vst v0  }
0x40: {  	v0 =	vld [tilespmem:s23+$0x80]  }
0x41: {  	v1 =	vld [tilespmem:s23+$0x100];
	_ =	sdelay $0x3  }
0x42: {  	v0 =	vmul.f32 $1.600000000e+01, v0  }
0x43: {  	v1 =	vmul.f32 $1.600000000e+01, v1  }
0x44: {  	v0 =	vadd.f32 $-5.000000000e-01, v0  }
0x45: {  	v1 =	vadd.f32 $-5.000000000e-01, v1  }
0x46: {  	v0 =	vmax.f32 v0, $-1.000000000e+00  }
0x47: {  	v0 =	vmin.f32 v0, $1.600000000e+01;
	v1 =	vmax.f32 v1, $-1.000000000e+00  }
0x48: {  	v1 =	vmin.f32 v1, $1.600000000e+01;
	v2 =	vadd.f32 $1.600000000e+01, v0  }
0x49: {  	v3 =	vadd.f32 $1.600000000e+01, v1  }
0x4a: {  	v2 =	vtrunc.f32 v2  }
0x4b: {  	v2 =	vcvt.f32.s32 v2;
	v3 =	vtrunc.f32 v3  }
0x4c: {  	v3 =	vcvt.f32.s32 v3  }
0x4d: {  	v4 =	vadd.s32 $0xFFFFFFF0, v2;
	v2 =	vadd.s32 $0xFFFFFFF1, v2  }
0x4e: {  	v5 =	vadd.s32 $0xFFFFFFF0, v3;
	v6 =	vcvt.s32.f32 v4;
	vm0 =	vgt.s32 v2, $0x0  }
0x4f: {  	v7 =	vcvt.s32.f32 v5;
	v2 =	vnsel vm0, $0x0, v2;
	vm0 =	vgt.s32 v5, $0x0  }
0x50: {  	v3 =	vadd.s32 $0xFFFFFFF1, v3;
	v0 =	vsub.f32 v0, v6;
	v5 =	vnsel vm0, $0x0, v5  }
0x51: {  	v2 =	vmin.u32 v2, $0xF;
	v1 =	vsub.f32 v1, v7;
	v5 =	vmin.u32 v5, $0xF  }
.Ltmp0:
0x52: {  	vm0 =	vgt.s32 v4, $0x0;
	v7 =	vsub.f32 $1.000000000e+00, v0;
	v5 =	vshll.u32 v5, $0x4;
	(pc) =	sbr.rel @p0 .LBB2_3-.Ltmp0, $4  }
0x53: {  	s21 =	sshll.u32 s21, $0x6;
	vm1 =	vgt.s32 v3, $0x0;
	v9 =	vsub.f32 $1.000000000e+00, v1;
	v10 =	vor.u32 v2, v5  }
0x54: {  	s21 =	sand.u32 $0xFFFFFE00, s21;
	v8 =	vnsel vm1, $0x0, v3;
	v4 =	vnsel vm0, $0x0, v4;
	v3 =	vmul.f32 v7, v1  }
0x55: {  	s23 =	sor.u32 s22, s21;
	s22 =	sor.u32 s21, s20;
	v8 =	vmin.u32 v8, $0xF;
	v6 =	vmin.u32 v4, $0xF;
	v4 =	vmul.f32 v9, v7  }
0x56: {  	v7 =	vshll.u32 v8, $0x4;
	v8 =	vor.u32 v6, v5;
	v5 =	vmul.f32 v9, v0;
	[tilespmem:s23+$0x8500] =	vst v10  }
0x57: {  	[tilespmem:s23+$0x8480] =	vst v8;
	v6 =	vor.u32 v6, v7  }
0x58: {  	v2 =	vor.u32 v2, v7;
	s19 =	sor.u32 $0x180, s22;
	[tilespmem:s23+$0x8580] =	vst v6  }
0x59: {  	[tilespmem:s19+$0x8480] =	vst v2  }
0x5a: {  	[tilespmem:s23+$0x8C80] =	vst v4  }
0x5b: {  	v0 =	vmul.f32 v1, v0;
	[tilespmem:s23+$0x8D00] =	vst v5  }
0x5c: {  	[tilespmem:s23+$0x8D80] =	vst v3  }
0x5d: {  	s20 =	simm.s32 $0x0;
	s21 =	simm.s32 $0x0;
	[tilespmem:s19+$0x8C80] =	vst v0;
	s19 =	simm.s32 $0x9480  }
.LBB2_5:
0x5e: {  	s22 =	sshll.u32 s21, $0x4;
	s23 =	sshll.u32 s21, $0x6  }
0x5f: {  	s24 =	sand.u32 $0x70, s22;
	s23 =	sand.u32 $0x600, s23  }
0x60: {  	s24 =	sor.u32 s24, s23  }
0x61: {  	v6 =	vld [tilespmem:s24+$0x8480]  }
0x62: {  	v7 =	vld [tilespmem:s24+$0x8500];
	_ =	sdelay $0x1  }
0x63: {  	s22 =	sor.u32 s23, s22;
	v0 =	vld [tilespmem:s24+$0x8580]  }
0x64: {  	s22 =	sor.u32 $0x180, s22  }
0x65: {  	v1 =	vld [tilespmem:s22+$0x8480]  }
0x66: {  	v2 =	vld [tilespmem:s24+$0x8C80]  }
0x67: {  	v3 =	vld [tilespmem:s24+$0x8D00]  }
0x68: {  	v8 =	vld.idx.msk [tilespmem:v6+s10+$0x0], $0xffff  }
0x69: {  	v9 =	vld.idx.msk [tilespmem:v7+s10+$0x0], $0xffff  }
0x6a: {  	v4 =	vld [tilespmem:s24+$0x8D80]  }
0x6b: {  	v10 =	vld.idx.msk [tilespmem:v0+s10+$0x0], $0xffff  }
0x6c: {  	v5 =	vld [tilespmem:s22+$0x8C80]  }
0x6d: {  	v11 =	vld.idx.msk [tilespmem:v1+s10+$0x0], $0xffff  }
0x6e: {  	v8 =	vmul.f32 v8, v2;
	v9 =	vmul.f32 v9, v3;
	_ =	sdelay $0x1  }
0x6f: {  	v8 =	vadd.f32 v9, v8;
	v9 =	vmul.f32 v10, v4;
	_ =	sdelay $0x1  }
0x70: {  	v10 =	vadd.s32 $0x100, v6;
	v8 =	vadd.f32 v9, v8;
	v9 =	vmul.f32 v11, v5  }
0x71: {  	v11 =	vadd.s32 $0x100, v7  }
0x72: {  	v8 =	vadd.f32 v9, v8  }
0x73: {  	v9 =	vadd.s32 $0x100, v0  }
0x74: {  	[tilespmem:s19+$0x0] =	vst v8  }
0x75: {  	v8 =	vadd.s32 $0x100, v1;
	v10 =	vld.idx.msk [tilespmem:v10+s10+$0x0], $0xffff  }
0x76: {  	v11 =	vld.idx.msk [tilespmem:v11+s10+$0x0], $0xffff;
	_ =	sdelay $0x1  }
0x77: {  	v9 =	vld.idx.msk [tilespmem:v9+s10+$0x0], $0xffff;
	_ =	sdelay $0x1  }
0x78: {  	v8 =	vld.idx.msk [tilespmem:v8+s10+$0x0], $0xffff  }
0x79: {  	v10 =	vmul.f32 v10, v2;
	v11 =	vmul.f32 v11, v3  }
0x7a: {  	s30 =	sshll.u32 s17, $0x2;
	s31 =	sand.u32 $0x7, s20  }
0x7b: {  	s23 =	sshll.u32 s31, $0x6;
	s22 =	sand.u32 $0xFFFFFE00, s30;
	v9 =	vmul.f32 v9, v4;
	v10 =	vadd.f32 v11, v10  }
0x7c: {  	s22 =	sor.u32 s23, s22  }
0x7d: {  	s22 =	sshrl.u32 s22, $0x2;
	v6 =	vadd.s32 $0x200, v6;
	v8 =	vmul.f32 v8, v5;
	v9 =	vadd.f32 v9, v10  }
0x7e: {  	s22 =	sadd.s32 $0x9680, s22;
	v7 =	vadd.s32 $0x200, v7  }
0x7f: {  	s25 =	smov.u32 s19;
	s23 =	simm.s32 $0x0;
	s24 =	smov.u32 s22;
	v8 =	vadd.f32 v8, v9  }
.LBB2_6:
0x80: {  	s23 =	sadd.s32 $0x2, s23;
	v0 =	vadd.s32 $0x200, v0;
	v1 =	vadd.s32 $0x200, v1;
	s25 =	sadd.s32 $0x400, s25;
	s22 =	sadd.s32 $0x400, s22  }
0x81: {  	p0 =	slt.u32 s23, $0x7E;
	[tilespmem:s24+$0x0] =	vst v8;
	s24 =	smov.u32 s22  }
0x82: {  	v8 =	vld.idx.msk [tilespmem:v6+s10+$0x0], $0xffff  }
0x83: {  	v9 =	vld.idx.msk [tilespmem:v7+s10+$0x0], $0xffff;
	_ =	sdelay $0x1  }
0x84: {  	v10 =	vld.idx.msk [tilespmem:v0+s10+$0x0], $0xffff;
	_ =	sdelay $0x1  }
0x85: {  	v11 =	vld.idx.msk [tilespmem:v1+s10+$0x0], $0xffff;
	_ =	sdelay $0x1  }
0x86: {  	v8 =	vmul.f32 v8, v2;
	v9 =	vmul.f32 v9, v3;
	_ =	sdelay $0x1  }
0x87: {  	v8 =	vadd.f32 v9, v8;
	v9 =	vmul.f32 v10, v4  }
0x88: {  	v10 =	vadd.s32 $0x100, v7  }
0x89: {  	v8 =	vadd.f32 v9, v8;
	v9 =	vmul.f32 v11, v5;
	v11 =	vadd.s32 $0x100, v6;
	_ =	sdelay $0x1  }
0x8a: {  	v8 =	vadd.f32 v9, v8;
	v9 =	vadd.s32 $0x100, v0;
	_ =	sdelay $0x1  }
0x8b: {  	[tilespmem:s25+$0x0] =	vst v8;
	v8 =	vadd.s32 $0x100, v1  }
0x8c: {  	v11 =	vld.idx.msk [tilespmem:v11+s10+$0x0], $0xffff  }
0x8d: {  	v10 =	vld.idx.msk [tilespmem:v10+s10+$0x0], $0xffff  }
0x8e: {  	v9 =	vld.idx.msk [tilespmem:v9+s10+$0x0], $0xffff;
	_ =	sdelay $0x1  }
0x8f: {  	v8 =	vld.idx.msk [tilespmem:v8+s10+$0x0], $0xffff;
	_ =	sdelay $0x1  }
0x90: {  	v11 =	vmul.f32 v11, v2  }
0x91: {  	v10 =	vmul.f32 v10, v3  }
0x92: {  	v9 =	vmul.f32 v9, v4  }
.Ltmp1:
0x93: {  	v10 =	vadd.f32 v10, v11;
	(pc) =	sbr.rel @p0 .LBB2_6-.Ltmp1, $4  }
0x94: {  	v8 =	vmul.f32 v8, v5  }
0x95: {  	v6 =	vadd.s32 $0x200, v6;
	v9 =	vadd.f32 v9, v10  }
0x96: {  	v7 =	vadd.s32 $0x200, v7  }
0x97: {  	v8 =	vadd.f32 v8, v9  }
0x98: {  	s21 =	sadd.s32 $0x1, s21  }
0x99: {  	p0 =	sne.s32 s21, $0x20  }
.Ltmp2:
0x9a: {  	_ = 	snop;
	(pc) =	sbr.rel @p0 .LBB2_5-.Ltmp2, $2  }
0x9b: {  	_ =	sdelay $0x2  }
0x9c: {  	s20 =	sadd.s32 $0x1, s20;
	s19 =	sadd.s32 $0x10, s19;
	s17 =	sadd.s32 $0x10, s17;
	[tilespmem:s24+$0x0] =	vst v8  }
0x9d: {  	s17 =	sshll.u32 s16, $0x4  }
0x9e: {  	s18 =	sshll.u32 s18, $0xD;
	s16 =	sadd.s32 $0x1, s16;
	s17 =	sand.u32 $0x70, s17  }
0x9f: {  	s18 =	sand.u32 $0x7F0000, s18;
	p0 =	sne.s32 s16, $0x20;
	s17 =	sadd.s32 s6, s17  }
.Ltmp3:
0xa0: {  	s17 =	sadd.s32 s18, s17;
	(pc) =	sbr.rel @p0 .LBB2_2-.Ltmp3, $4  }
0xa1: {  	[hbm4b:s17+s12] =	stream.strided.scatter [tilespmem:s14], [sflag:$0x2], $0x10000, s13, s12, $0x38;
	[tilespmem:$0x19480] =	vst v63  }
0xa2: {  	_ =	swait.ge [sflag:s9], $0x10000  }
0xa3: {  	[sflag:s9] =	ssyncset.done $0x0  }
0xa4: {  	[sflag:s9] =	ssyncadd.s32 $0xFFFF0000  }
0xa5: {  	s15 =	sadd.s32 $0x1, s15  }
0xa6: {  	p0 =	sne.s32 s15, s8  }
.Ltmp4:
0xa7: {  	_ = 	snop;
	(pc) =	sbr.rel @p0 .LBB2_1-.Ltmp4, $1  }
0xa8: {  	_ =	sdelay $0x3  }
0xa9: {  	_ =	sfence.sel $0x180000  }
0xaa: {  	[bflag:$0x0] =	sbarrier.arrive $0xFFFF  }
0xab: {  	p0 =	sne.s32 s3, $0x0;
	_ =	strace $0x90000047  }
0xac: {  	s0 =	sadd.s32 @!p0 $0x100000, s0;
	[bflag:$0x2] =	sbarrier.arrive $0xFFFF  }
0xad: {  	[sflag:s0] =	ssyncadd.tile.s32 @!p0 $0x1;
	_ =	shalt  }
.Lfunc_end2:
_tile_overlayer_lowered:
.L_overlay_start_2:
0xae: {  	(tag) =	ssettag $0x2  }
0xaf: {  	s0 =	rddreg [dreg:$0x0];
	s2 =	stileid.u32  }
0xb0: {  	s1 =	rddreg [dreg:$0x1];
	p0 =	sne.s32 s2, $0x0  }
0xb1: {  	s3 =	rddreg [dreg:$0x2];
	[bflag:$0x3] =	sbarrier.arrive $0xFFFF;
	s2 =	simm.s32 @!p0 $0x1C02  }
0xb2: {  	[timem:s3], [sflag:s2] =	dma.local @!p0 [hbm:s0], s1  }
0xb3: {  	s0 =	simm.s32 @!p0 $0x2  }
0xb4: {  	_ =	swait.ge @!p0 [sflag:s0], s1  }
0xb5: {  	s1 =	ssub.s32 @!p0 $0x0, s1;
	[sflag:s0] =	ssyncset.done @!p0 $0x0  }
0xb6: {  	[sflag:s0] =	ssyncadd.s32 @!p0 s1  }
0xb7: {  	[bflag:$0x3] =	sbarrier.arrive $0xFFFF  }
0xb8: {  	_ =	shalt  }

// kernel: sparse-core-data-format-call.cloned.1.call-start
scs
called_computation_lowered:
.L_overlay_start_0:
0x0: {  	s2 =	sld [smem:$0x3FD9]  }
0x1: {  	s3 =	sld [smem:$0x3FFE];
	_ =	sdelay $0x1  }
0x2: {  	s1 =	srdreg.scid  }
0x3: {  	s0 =	sand.u32 $0x1, s1  }
0x4: {  	s18 =	sshll.u32 s0, $0xA;
	s2 =	sadd.s32 s3, s2  }
0x5: {  	s2 =	sadd.s32 s2, s18  }
0x6: {  	[smem:$0x3FC5] =	sst s2  }
0x7: {  	_ = 	snop  }
0x8: {  	s2 =	sld [smem:$0x3FD0];
	(tm) =	ssettm $0x1  }
0x9: {  	s19 =	sld [smem:$0x3FFB];
	_ =	sdelay $0x3  }
0xa: {  	_ =	strace s19  }
0xb: {  	s3 =	sld [smem:$0x3FFC];
	_ =	sdelay $0x3  }
0xc: {  	_ =	strace s3  }
0xd: {  	s3 =	sld [smem:$0x3FFD];
	_ =	sdelay $0x3  }
0xe: {  	_ =	strace s3  }
0xf: {  	_ =	strace $0x8FFFFFFF  }
0x10: {  	s20 =	sld [smem:$0x3FDB];
	_ =	sdelay $0x1  }
0x11: {  	s4 =	simm.s32 $_scs_section_size  }
0x12: {  	s5 =	simm.s32 $_size__tile_overlayer_lowered;
	s6 =	simm.s32 $_tile_overlayer_lowered  }
0x13: {  	s23 =	simm.s32 $0x1BFF;
	s22 =	sshll.u32 s6, $0x1;
	s3 =	sadd.s32 s4, s20  }
0x14: {  	s7 =	simm.s32 $0x0;
	s21 =	sshll.u32 s5, $0x1;
	s5 =	sadd.s32 s22, s3  }
0x15: {  	[timem:s7], [sflag:s23] =	dma.local [hbm:s5], s21  }
0x16: {  	_ =	swait.ge [sflag:s23], s21  }
0x17: {  	s4 =	ssub.s32 $0x0, s21;
	[sflag:s23] =	ssyncset.done $0x0  }
0x18: {  	[sflag:s23] =	ssyncadd.s32 s4;
	_ =	sdelay $0x1  }
0x19: {  	s24 =	simm.s32 $0x1B8B  }
0x1a: {  	_ =	swait.ge [sflag:s24], $0x1  }
0x1b: {  	[sflag:s24] =	ssyncset.done $0x0  }
0x1c: {  	s26 =	simm.s32 $0x1B8E;
	s25 =	sld [smem:$0x3FFE];
	[sflag:s24] =	ssyncadd.s32 $0xFFFFFFFF  }
0x1d: {  	s27 =	simm.s32 $execute0_lowered;
	[smem:$0x3FD2] =	sst s26  }
0x1e: {  	s5 =	sshll.u32 s27, $0x1;
	_ =	strace $0x80000049;
	[dreg:$0x1] =	wrdreg $0xFFFFFFFF  }
0x1f: {  	s28 =	simm.s32 $_size_execute0_lowered;
	s3 =	sadd.s32 s3, s5;
	[dreg:$0x0] =	wrdreg $0x0  }
0x20: {  	s5 =	sshll.u32 s28, $0x1;
	[dreg:$0x2] =	wrdreg s3  }
0x21: {  	[dreg:$0x3] =	wrdreg s5  }
0x22: {  	[dreg:$0x4] =	wrdreg $0xC0  }
0x23: {  	_ =	task [dreg:s7], $0x5FFFF  }
0x24: {  	[dreg:$0x1] =	wrdreg $0xFFFFFFFF  }
0x25: {  	[dreg:$0x0] =	wrdreg $0x60  }
0x26: {  	[dreg:$0x2] =	wrdreg s25  }
0x27: {  	[dreg:$0x3] =	wrdreg s2  }
0x28: {  	[dreg:$0x4] =	wrdreg $0x9  }
0x29: {  	_ =	task.clear_ibuf [dreg:s7], $0x5FFFF;
	_ =	strace $0x90000049  }
0x2a: {  	s29 =	simm.s32 $0x9;
	_ =	strace $0x8000004B  }
0x2b: {  	_ =	swait.ge [sflag:s29], $0x1  }
0x2c: {  	[sflag:s29] =	ssyncadd.s32 $0xFFFFFFFF  }
0x2d: {  	_ =	strace $0x9000004B  }
0x2e: {  	_ =	sfence  }
0x2f: {  	s30 =	sld [smem:$0x0];
	_ =	sdelay $0x2  }
0x30: {  	s31 =	sshll.u32 s1, $0xD;
	s1 =	sshrl.u32 s1, $0x2  }
0x31: {  	s3 =	sand.u32 $0x4000, s31;
	s1 =	sadd.s32 s1, s30  }
0x32: {  	s0 =	sor.u32 s3, s0;
	s1 =	sshll.u32 s1, $0x11  }
0x33: {  	s0 =	sor.u32 s1, s0  }
0x34: {  	s0 =	sadd.s32 $0x8F2B, s0  }
0x35: {  	[sflag:s0] =	ssyncadd.remote.s32 $0x1  }
0x36: {  	_ =	sfence.sel $0xFFFF  }
0x37: {  	[dreg:$0x0] =	wrdreg $0xFFFFFFFF;
	(pc) =	sbr.abs _section_cstart, $3  }
0x38: {  	[dreg:$0x1] =	wrdreg $0xFFFFFFFF  }
0x39: {  	_ =	task.clear_ibuf [dreg:s7], $0x2FFFF;
	_ =	strace $0x9FFFFFFF  }
0x3a: {  	(tm) =	ssettm $0x7FFFFFFF  }
0x3b: {  	_ =	shalt  }
tec
execute0_lowered:
.L_overlay_start_1:
0x0: {  	(tag) =	ssettag $0x1  }
0x1: {  	s1 =	rddreg [dreg:$0x0]  }
0x2: {  	s2 =	rddreg [dreg:$0x1]  }
0x3: {  	s0 =	rddreg [dreg:$0x2];
	_ =	strace $0x8000004A;
	s4 =	srdreg.scid  }
0x4: {  	s6 =	simm.s32 $0x2;
	s12 =	simm.s32 $0x0;
	p0 =	por $0x0, $0x0  }
0x5: {  	s13 =	simm.s32 $0x0;
	s15 =	simm.s32 $0x0;
	s14 =	simm.s32 $0x0  }
.Ltmp0:
0x6: {  	s8 =	simm.s32 $0x0;
	s9 =	simm.s32 $0x0;
	(pc) =	sbr.rel .LBB1_1-.Ltmp0, $4  }
0x7: {  	s10 =	simm.s32 $0x0;
	s3 =	sadd.s32 $0x800, s1;
	s5 =	sshll.u32 s4, $0x4  }
0x8: {  	s1 =	stileid.u32;
	s4 =	simm.s32 $0x1;
	s5 =	sand.u32 $0x10, s5  }
0x9: {  	s7 =	simm.s32 $0x0;
	[sflag:s4] =	ssyncpa.u1 $0x0;
	s5 =	sor.u32 s1, s5  }
0xa: {  	[sflag:s6] =	ssyncpa.u1 $0x0;
	s6 =	simm.s32 $0x10000;
	s11 =	smov.u32 s5  }
.LBB1_7:
0xb: {  	s16 =	sadd.s32 $0x100, s8  }
0xc: {  	s12 =	sadd.s32 $0x8, s9;
	s17 =	smov.u32 s9;
	p2 =	sgt.s32 s16, $0x1FF  }
0xd: {  	s17 =	smov.u32 @p2 s12  }
0xe: {  	s18 =	smov.u32 s10;
	s12 =	sadd.s32 $0x8, s10;
	p3 =	sgt.s32 s17, $0x7  }
0xf: {  	s18 =	smov.u32 @p3 s12  }
0x10: {  	s19 =	smov.u32 s11;
	s12 =	sadd.s32 $0x20, s11;
	p4 =	sgt.s32 s18, $0x7F  }
0x11: {  	p1 =	slt.u32 s7, $0x2;
	s19 =	smov.u32 @p4 s12  }
0x12: {  	s7 =	sadd.s32 $0x1, s7;
	s16 =	simm.s32 @p2 $0x0;
	p2 =	sgt.s32 s19, $0x7F  }
0x13: {  	s20 =	simm.s32 @!p1 $0x2;
	s19 =	smov.u32 @p2 s5;
	p2 =	sne.s32 s7, $0x82  }
.Ltmp1:
0x14: {  	s13 =	smov.u32 s9;
	_ =	swait.ge @!p1 [sflag:s20], $0x4000;
	(pc) =	sbr.rel @!p2 .LBB1_8-.Ltmp1, $4  }
0x15: {  	s15 =	smov.u32 s10;
	s14 =	smov.u32 s11;
	[sflag:s20] =	ssyncset.done @!p1 $0x0  }
0x16: {  	p0 =	por !p0, !p0;
	s17 =	simm.s32 @p3 $0x0;
	[sflag:s20] =	ssyncadd.s32 @!p1 $0xFFFFC000  }
0x17: {  	s9 =	smov.u32 s17;
	s18 =	simm.s32 @p4 $0x0;
	s12 =	smov.u32 s8  }
0x18: {  	s8 =	smov.u32 s16;
	s10 =	smov.u32 s18;
	s11 =	smov.u32 s19  }
.LBB1_1:
0x19: {  	p1 =	sgt.u32 s7, $0x7F  }
0x1a: {  	s16 =	sxor.u32 @!p1 $0xFFFFFFFF, s7;
	s17 =	sshll.u32 @!p1 s8, $0x3  }
0x1b: {  	s18 =	sshll.u32 @!p1 s9, $0x7;
	s19 =	sand.u32 @!p1 $0x78, s8;
	s20 =	sshll.u32 @!p1 s11, $0x10  }
0x1c: {  	s21 =	sshll.u32 @!p1 s10, $0x9;
	s16 =	sshll.u32 @!p1 s16, $0xE;
	s18 =	sand.u32 @!p1 $0x380, s18  }
0x1d: {  	s17 =	sand.u32 @!p1 $0xC00, s17;
	s16 =	sand.u32 @!p1 $0x4000, s16;
	s18 =	sor.u32 @!p1 s19, s18  }
0x1e: {  	s19 =	sand.u32 @!p1 $0x7, s8;
	s17 =	sor.u32 @!p1 s17, s18;
	s18 =	sadd.s32 @!p1 s3, s20  }
0x1f: {  	s19 =	sshll.u32 @!p1 s19, $0x12;
	s17 =	sshrl.u32 @!p1 s17, $0x3;
	s18 =	sadd.s32 @!p1 s21, s18  }
0x20: {  	s17 =	sadd.s32 @!p1 s17, s18;
	s18 =	sor.u32 @!p1 $0x800, s19;
	s19 =	simm.s32 @!p1 $0x1000  }
0x21: {  	[tilespmem:s16], [sflag:$0x1] =	stream.strided.gather @!p1 [hbm4b:s17+s18], $0x4000, s19, s18, $0x38;
	[tilespmem:$0x10000] =	vst v63  }
0x22: {  	p1 =	seq.s32 s7, $0x0  }
0x23: {  	p2 =	seq.s32 @!p1 s7, $0x81  }
0x24: {  	p1 =	por p1, p2  }
.Ltmp2:
0x25: {  	_ = 	snop;
	(pc) =	sbr.rel @p1 .LBB1_7-.Ltmp2, $1  }
0x26: {  	_ =	sdelay $0x3  }
0x27: {  	s16 =	simm.s32 $0x1;
	_ =	swait.ge [sflag:s4], $0x4000  }
0x28: {  	s31 =	sshll.u32 s7, $0xE;
	s21 =	simm.s32 $0x0;
	p1 =	por $0x0, $0x0  }
0x29: {  	s22 =	simm.s32 $0x0;
	s23 =	simm.s32 $0x0;
	s16 =	simm.s32 @!p0 $0x0  }
0x2a: {  	[sflag:s4] =	ssyncset.done $0x0;
	s19 =	sand.u32 $0x4000, s31;
	s16 =	sshll.u32 s16, $0x10  }
0x2b: {  	[sflag:s4] =	ssyncadd.s32 $0xFFFFC000;
	s20 =	sshrl.u32 s16, $0x2;
	s16 =	sor.u32 $0x8000, s19  }
0x2c: {  	s17 =	sor.u32 $0x40, s20;
	s18 =	sor.u32 $0x8410, s20;
	s20 =	sadd.s32 $0x8400, s20  }
.LBB1_3:
0x2d: {  	v1 =	vld [tilespmem:s17+$0xFFFFFFD0]  }
0x2e: {  	v2 =	vld [tilespmem:s17+$0x430]  }
0x2f: {  	s24 =	sshll.u32 s23, $0xB;
	v4 =	vld [tilespmem:s17+$0xFFFFFFE0]  }
0x30: {  	v7 =	vld [tilespmem:s17+$0xFFFFFFF0];
	v0 =	vmov s24  }
0x31: {  	v8 =	vld [tilespmem:s17+$0x0]  }
0x32: {  	s30 =	sand.u32 $0x300, s21;
	v9 =	vld [tilespmem:s17+$0x10]  }
0x33: {  	s25 =	sand.u32 $0x80, s21;
	v10 =	vld [tilespmem:s17+$0x20];
	s24 =	sadd.s32 s30, s19  }
0x34: {  	v11 =	vld [tilespmem:s17+$0x30];
	s24 =	sadd.s32 s25, s24;
	s25 =	simm.s32 $0x1;
	[tilespmem:s18+$0x60] =	vst v2  }
0x35: {  	s31 =	sshll.u32 s22, $0x2;
	s25 =	simm.s32 @!p1 $0x0;
	[tilespmem:s18+$0xFFFFFC00] =	vst v1;
	v3 =	vld.idx.msk [tilespmem:v0+s24+$0x400 ss:$0x1], $0xffff  }
0x36: {  	v6 =	vld [tilespmem:s17+$0x3D0];
	s25 =	sshll.u32 s25, $0x9;
	[tilespmem:s18+$0xFFFFFC10] =	vst v4;
	s24 =	sand.u32 $0xFFFFFC00, s31  }
0x37: {  	v5 =	vld [tilespmem:s17+$0x3E0];
	[tilespmem:s18+$0xFFFFFC20] =	vst v7;
	s24 =	sor.u32 s25, s24  }
0x38: {  	[tilespmem:s18+$0xFFFFFC30] =	vst v8;
	v4 =	vld [tilespmem:s17+$0x400];
	s24 =	sshrl.u32 s24, $0x2  }
0x39: {  	[tilespmem:s18+$0xFFFFFC40] =	vst v9;
	v1 =	vld [tilespmem:s17+$0x410];
	s24 =	sadd.s32 s24, s20  }
0x3a: {  	[tilespmem:s24+$0x0] =	vst v3;
	v3 =	vld [tilespmem:s17+$0x3F0]  }
0x3b: {  	s28 =	simm.s32 $0x80;
	s27 =	simm.s32 $0x100;
	[tilespmem:s18+$0xFFFFFC50] =	vst v10;
	v2 =	vld [tilespmem:s17+$0x420]  }
0x3c: {  	s26 =	smov.u32 s18;
	s29 =	sand.u32 $0x300, s28;
	v7 =	vld [tilespmem:s17+$0xFFFFFFC0];
	[tilespmem:s18+$0xFFFFFC60] =	vst v11;
	s25 =	sadd.s32 $0x80, s17  }
.LBB1_4:
0x3d: {  	p2 =	sne.s32 s27, $0x380;
	v8 =	vld [tilespmem:s25+$0xFFFFFFD0];
	s28 =	sand.u32 $0x80, s28;
	s29 =	sadd.s32 s29, s19;
	[tilespmem:s26+$0x0] =	vst v6  }
0x3e: {  	s29 =	sadd.s32 s28, s29;
	v6 =	vld [tilespmem:s25+$0x430];
	[tilespmem:s26+$0x10] =	vst v5;
	s28 =	smov.u32 s27  }
0x3f: {  	v5 =	vld.idx.msk [tilespmem:v0+s29+$0x400 ss:$0x1], $0xffff;
	[tilespmem:s26+$0x20] =	vst v3  }
0x40: {  	v3 =	vld [tilespmem:s25+$0xFFFFFFE0];
	[tilespmem:s26+$0x30] =	vst v4  }
0x41: {  	v4 =	vld [tilespmem:s25+$0xFFFFFFF0];
	[tilespmem:s26+$0xFFFFFBF0] =	vst v7  }
0x42: {  	v7 =	vld [tilespmem:s25+$0x0];
	[tilespmem:s26+$0x40] =	vst v1  }
0x43: {  	v1 =	vld [tilespmem:s25+$0x10];
	[tilespmem:s26+$0x50] =	vst v2;
	s26 =	sadd.s32 $0x800, s26  }
0x44: {  	s24 =	sadd.s32 $0x800, s24;
	v2 =	vld [tilespmem:s25+$0x20];
	[tilespmem:s26+$0x60] =	vst v6  }
0x45: {  	v9 =	vld [tilespmem:s25+$0x30];
	[tilespmem:s24+$0x0] =	vst v5  }
0x46: {  	[tilespmem:s26+$0xFFFFFC00] =	vst v8;
	v6 =	vld [tilespmem:s25+$0x3D0]  }
0x47: {  	[tilespmem:s26+$0xFFFFFC10] =	vst v3;
	v5 =	vld [tilespmem:s25+$0x3E0]  }
.Ltmp3:
0x48: {  	[tilespmem:s26+$0xFFFFFC20] =	vst v4;
	v3 =	vld [tilespmem:s25+$0x3F0];
	(pc) =	sbr.rel @p2 .LBB1_4-.Ltmp3, $4  }
0x49: {  	[tilespmem:s26+$0xFFFFFC30] =	vst v7;
	v4 =	vld [tilespmem:s25+$0x400]  }
0x4a: {  	[tilespmem:s26+$0xFFFFFC40] =	vst v1;
	v1 =	vld [tilespmem:s25+$0x410]  }
0x4b: {  	[tilespmem:s26+$0xFFFFFC50] =	vst v2;
	v2 =	vld [tilespmem:s25+$0x420]  }
0x4c: {  	s27 =	sadd.s32 $0x80, s27;
	s29 =	sand.u32 $0x300, s28;
	v7 =	vld [tilespmem:s25+$0xFFFFFFC0];
	[tilespmem:s26+$0xFFFFFC60] =	vst v9;
	s25 =	sadd.s32 $0x80, s25  }
0x4d: {  	[tilespmem:s26+$0x0] =	vst v6  }
0x4e: {  	[tilespmem:s26+$0x10] =	vst v5  }
0x4f: {  	v49 =	vld [tilespmem:s25+$0x430];
	[tilespmem:s26+$0x20] =	vst v3  }
0x50: {  	v50 =	vld [tilespmem:s25+$0xFFFFFFD0];
	[tilespmem:s26+$0x30] =	vst v4  }
0x51: {  	v51 =	vld [tilespmem:s25+$0xFFFFFFE0];
	[tilespmem:s26+$0x40] =	vst v1  }
0x52: {  	v52 =	vld [tilespmem:s25+$0xFFFFFFF0];
	[tilespmem:s26+$0x50] =	vst v2  }
0x53: {  	s31 =	sadd.s32 $0x800, s26;
	v53 =	vld [tilespmem:s25+$0x0];
	[tilespmem:s26+$0xFFFFFBF0] =	vst v7  }
0x54: {  	v54 =	vld [tilespmem:s25+$0x10];
	[tilespmem:s31+$0x60] =	vst v49  }
0x55: {  	v55 =	vld [tilespmem:s25+$0x20];
	[tilespmem:s31+$0xFFFFFC00] =	vst v50  }
0x56: {  	v56 =	vld [tilespmem:s25+$0x30];
	[tilespmem:s31+$0xFFFFFC10] =	vst v51  }
0x57: {  	v57 =	vld [tilespmem:s25+$0x3D0];
	[tilespmem:s31+$0xFFFFFC20] =	vst v52  }
0x58: {  	v58 =	vld [tilespmem:s25+$0x3E0];
	[tilespmem:s31+$0xFFFFFC30] =	vst v53  }
0x59: {  	v59 =	vld [tilespmem:s25+$0x3F0];
	[tilespmem:s31+$0xFFFFFC40] =	vst v54  }
0x5a: {  	v60 =	vld [tilespmem:s25+$0x400];
	[tilespmem:s31+$0xFFFFFC50] =	vst v55  }
0x5b: {  	v61 =	vld [tilespmem:s25+$0xFFFFFFC0];
	[tilespmem:s31+$0xFFFFFC60] =	vst v56  }
0x5c: {  	s27 =	sand.u32 $0x80, s28;
	s30 =	sadd.s32 s29, s19;
	v62 =	vld [tilespmem:s25+$0x410];
	[tilespmem:s31+$0x0] =	vst v57  }
0x5d: {  	v63 =	vld [tilespmem:s25+$0x420];
	s23 =	sadd.s32 $0x1, s23;
	s27 =	sadd.s32 s27, s30;
	[tilespmem:s31+$0x10] =	vst v58  }
0x5e: {  	p2 =	sne.s32 s23, $0x8;
	v0 =	vld.idx.msk [tilespmem:v0+s27+$0x400 ss:$0x1], $0xffff;
	[tilespmem:s31+$0x20] =	vst v59  }
.Ltmp4:
0x5f: {  	[tilespmem:s31+$0x30] =	vst v60;
	(pc) =	sbr.rel @p2 .LBB1_3-.Ltmp4, $4  }
0x60: {  	[tilespmem:s31+$0xFFFFFBF0] =	vst v61  }
0x61: {  	[tilespmem:s31+$0x40] =	vst v62  }
0x62: {  	s24 =	sadd.s32 $0x800, s24;
	s17 =	sadd.s32 $0x800, s17;
	[tilespmem:s31+$0x50] =	vst v63  }
0x63: {  	s22 =	sadd.s32 $0x80, s22;
	p1 =	por !p1, !p1;
	s18 =	sadd.s32 $0x80, s18;
	[tilespmem:s24+$0x0] =	vst v0  }
0x64: {  	s17 =	sand.u32 $0x78, s12  }
0x65: {  	s18 =	sshll.u32 s15, $0x9;
	s19 =	sshll.u32 s12, $0x3;
	s27 =	sshll.u32 s15, $0x7  }
0x66: {  	s14 =	sshll.u32 s14, $0x10;
	s13 =	sshll.u32 s13, $0xD;
	s30 =	sand.u32 $0x7, s12  }
0x67: {  	s18 =	sand.u32 $0xF000, s18;
	s19 =	sand.u32 $0xFC00, s19;
	s28 =	sand.u32 $0x200, s27  }
0x68: {  	s15 =	sand.u32 $0x180, s27;
	s14 =	sadd.s32 s2, s14;
	s18 =	sadd.s32 s18, s19  }
.Ltmp5:
0x69: {  	s15 =	sor.u32 s15, s17;
	s18 =	sor.u32 s28, s18;
	(pc) =	sbr.rel .LBB1_7-.Ltmp5, $4  }
0x6a: {  	s13 =	sadd.s32 s13, s14;
	s15 =	sshrl.u32 s15, $0x3;
	s29 =	sshrl.u32 s18, $0x3  }
0x6b: {  	s12 =	sshll.u32 s30, $0x12;
	s13 =	sadd.s32 s15, s13;
	s31 =	sand.u32 $0x1FC0, s29  }
0x6c: {  	s12 =	sor.u32 $0x800, s12;
	s13 =	sadd.s32 s31, s13  }
0x6d: {  	[hbm4b:s13+s12] =	stream.strided.scatter [tilespmem:s16], [sflag:$0x2], $0x4000, s6, s12, $0x38;
	[tilespmem:$0x10000] =	vst v63  }
.LBB1_8:
0x6e: {  	_ =	sfence.sel $0x180000  }
0x6f: {  	s2 =	simm.s32 $0x1;
	[bflag:$0x0] =	sbarrier.arrive $0xFFFF  }
0x70: {  	s31 =	simm.s32 $0x2;
	[sflag:s2] =	ssyncpa.u1 $0x1  }
0x71: {  	[sflag:s31] =	ssyncpa.u1 $0x1  }
0x72: {  	p0 =	sne.s32 s1, $0x0;
	_ =	strace $0x9000004A  }
0x73: {  	s0 =	sadd.s32 @!p0 $0x100000, s0;
	[bflag:$0x2] =	sbarrier.arrive $0xFFFF  }
0x74: {  	[sflag:s0] =	ssyncadd.tile.s32 @!p0 $0x1;
	_ =	shalt  }
.Lfunc_end1:
_tile_overlayer_lowered:
.L_overlay_start_2:
0x75: {  	(tag) =	ssettag $0x2  }
0x76: {  	s0 =	rddreg [dreg:$0x0];
	s2 =	stileid.u32  }
0x77: {  	s1 =	rddreg [dreg:$0x1];
	p0 =	sne.s32 s2, $0x0  }
0x78: {  	s3 =	rddreg [dreg:$0x2];
	[bflag:$0x3] =	sbarrier.arrive $0xFFFF;
	s2 =	simm.s32 @!p0 $0x1C01  }
0x79: {  	[timem:s3], [sflag:s2] =	dma.local @!p0 [hbm:s0], s1  }
0x7a: {  	s0 =	simm.s32 @!p0 $0x1  }
0x7b: {  	_ =	swait.ge @!p0 [sflag:s0], s1  }
0x7c: {  	s1 =	ssub.s32 @!p0 $0x0, s1;
	[sflag:s0] =	ssyncset.done @!p0 $0x0  }
0x7d: {  	[sflag:s0] =	ssyncadd.s32 @!p0 s1  }
0x7e: {  	[bflag:$0x3] =	sbarrier.arrive $0xFFFF  }
0x7f: {  	_ =	shalt  }

</sc_bundles>
